<compile_context>
chip_gen: v7x
topology: tpu7x:2x2x1
jax: 0.10.2.dev20260603
libtpu: 0.0.44.dev20260713+nightly
codegen_flags: <defaults>
</compile_context>

<pallas_src>
import jax
import jax.numpy as jnp
from jax import lax
from jax.experimental import pallas as pl
from jax.experimental.pallas import tpu as pltpu
from jax.experimental.pallas import tpu_sc as plsc

B = 4096 * 200
D = 64
DP = 128
SCALE = 8.0

NW = 32
B_PER_W = B // NW
CHUNK = 200
N_CHUNKS = B_PER_W // CHUNK
LANES = 16
UNROLL = 8


def _emb_kernel(token_hbm, table_hbm, out_hbm,
                idx_all, buf0, buf1, obuf0, obuf1, g0, g1, s0, s1):
    wid = lax.axis_index("s") * 2 + lax.axis_index("c")
    base = wid * B_PER_W
    pltpu.sync_copy(token_hbm.at[pl.ds(base, B_PER_W)], idx_all)

    bufs = (buf0, buf1)
    obufs = (obuf0, obuf1)
    gsem = (g0, g1)
    ssem = (s0, s1)

    def gather_start(c, b):
        pltpu.async_copy(
            table_hbm.at[idx_all.at[pl.ds(c * CHUNK, CHUNK)]], bufs[b], gsem[b])

    def gather_wait(c, b):
        pltpu.make_async_copy(
            table_hbm.at[idx_all.at[pl.ds(c * CHUNK, CHUNK)]], bufs[b], gsem[b]).wait()

    def out_ref(c):
        off = pl.multiple_of(base + c * CHUNK, 8)
        return out_hbm.at[pl.ds(off, CHUNK)]

    def store_start(c, b):
        pltpu.async_copy(obufs[b], out_ref(c), ssem[b])

    def store_wait(c, b):
        pltpu.make_async_copy(obufs[b], out_ref(c), ssem[b]).wait()

    def scale_to_obuf(b):
        buf = bufs[b]
        obuf = obufs[b]

        def body(i, carry):
            for r in range(UNROLL):
                for j in range(D // LANES):
                    sl = pl.ds(j * LANES, LANES)
                    obuf[i * UNROLL + r, sl] = buf[i * UNROLL + r, sl] * SCALE
            return carry
        lax.fori_loop(0, CHUNK // UNROLL, body, 0)

    gather_start(0, 0)

    @pl.loop(0, N_CHUNKS, step=2)
    def _(c0):
        for b in range(2):
            c = c0 + b

            @pl.when(c + 1 < N_CHUNKS)
            def _():
                gather_start(c + 1, 1 - b)

            gather_wait(c, b)

            @pl.when(c >= 2)
            def _():
                store_wait(c - 2, b)

            scale_to_obuf(b)
            store_start(c, b)

    store_wait(N_CHUNKS - 2, 0)
    store_wait(N_CHUNKS - 1, 1)


@jax.jit
def kernel(token, table):
    tok = token.reshape(-1)
    tab_pad = jnp.pad(table, ((0, 0), (0, DP - D)))
    mesh = plsc.VectorSubcoreMesh(core_axis_name="c", subcore_axis_name="s")
    out = pl.kernel(
        _emb_kernel,
        mesh=mesh,
        out_type=jax.ShapeDtypeStruct((B, D), jnp.float32),
        scratch_types=[
            pltpu.VMEM((B_PER_W,), jnp.int32),
            pltpu.VMEM((CHUNK, DP), jnp.float32),
            pltpu.VMEM((CHUNK, DP), jnp.float32),
            pltpu.VMEM((CHUNK, D), jnp.float32),
            pltpu.VMEM((CHUNK, D), jnp.float32),
            pltpu.SemaphoreType.DMA,
            pltpu.SemaphoreType.DMA,
            pltpu.SemaphoreType.DMA,
            pltpu.SemaphoreType.DMA,
        ],
    )(tok, tab_pad)
    return out.reshape(token.shape + (D,))

# --- scband reference (transcript-rebuilt; emitter-appended) ---
"""Pipeline reference for scband-token-em-bedding-8710193676479 (READ-ONLY COPY).

The authoritative reference and input builder live on the scoring server;
editing this copy changes nothing except your own understanding.
"""

import jax, jax.numpy as jnp
import numpy as np
import math

VOCAB = 1000000
EMB = 64

def setup_inputs(seed: int = 0) -> dict:
    key = jax.random.key(seed)
    k1, k2 = jax.random.split(key)
    token = jax.random.randint(k1, (4096, 200), 0, VOCAB, dtype=jnp.int64 if jax.config.jax_enable_x64 else jnp.int32)
    table = jax.random.normal(k2, (VOCAB, EMB), dtype=jnp.float32)
    return {"token": token, "table": table}

def reference(token, table):
    # TokenEmBedding.forward: embedding(token.long()) * sqrt(emb_size)
    emb = jnp.take(table, token, axis=0)
    return emb * math.sqrt(EMB)

if __name__ == "__main__":
    import jax
    _d = setup_inputs()
    print(jax.jit(kernel)(*tuple(_d.values())))

</pallas_src>

<mosaic_0001>
#map = affine_map<(d0, d1) -> (0)>
#map1 = affine_map<(d0, d1) -> (0, 0)>
module attributes {stable_mosaic.version = 14 : i64} {
  func.func @_emb_kernel(%arg0: i32, %arg1: i32, %arg2: memref<819200xi32, #tpu.memory_space<hbm>>, %arg3: memref<1000000x128xf32, #tpu.memory_space<hbm>>, %arg4: memref<819200x64xf32, #tpu.memory_space<hbm>>, %arg5: memref<25600xi32, #tpu.memory_space<vmem>>, %arg6: memref<200x128xf32, #tpu.memory_space<vmem>>, %arg7: memref<200x128xf32, #tpu.memory_space<vmem>>, %arg8: memref<200x64xf32, #tpu.memory_space<vmem>>, %arg9: memref<200x64xf32, #tpu.memory_space<vmem>>, %arg10: memref<!tpu.dma_semaphore, #tpu.memory_space<semaphore_mem>>, %arg11: memref<!tpu.dma_semaphore, #tpu.memory_space<semaphore_mem>>, %arg12: memref<!tpu.dma_semaphore, #tpu.memory_space<semaphore_mem>>, %arg13: memref<!tpu.dma_semaphore, #tpu.memory_space<semaphore_mem>>) attributes {dimension_semantics = [#tpu.dimension_semantics<core_parallel>, #tpu.dimension_semantics<subcore_parallel>], iteration_bounds = array<i64: 2, 16>, scalar_prefetch = 0 : i64, scratch_operands = 9 : i64, tpu.core_type = #tpu.core_type<sc_vector_subcore>, window_params = [{transform_indices = #map}, {transform_indices = #map1}, {transform_indices = #map1}]} {
    %mul3A = arith.constant 2 : i32
    %mul3A_0 = arith.muli %arg1, %mul3A : i32
    %add3A = arith.addi %mul3A_0, %arg0 : i32
    %mul3A_1 = arith.constant 25600 : i32
    %mul3A_2 = arith.muli %add3A, %mul3A_1 : i32
    "tpu.region"() ({
      %run_scoped3A = tpu.sem_alloc : memref<!tpu.dma_semaphore, #tpu.memory_space<semaphore_mem>>
      %dma_start3A_23 = tpu.memref_slice %arg2[%mul3A_2] : memref<819200xi32, #tpu.memory_space<hbm>> -> memref<25600xi32, #tpu.memory_space<hbm>>
      %dma_start3A_24 = tpu.memref_slice %arg2[%mul3A_2] : memref<819200xi32, #tpu.memory_space<hbm>> -> memref<25600xi32, #tpu.memory_space<hbm>>
      tpu.enqueue_dma source(%dma_start3A_24 : memref<25600xi32, #tpu.memory_space<hbm>>) target(%arg5 : memref<25600xi32, #tpu.memory_space<vmem>>) target_semaphore(%run_scoped3A : memref<!tpu.dma_semaphore, #tpu.memory_space<semaphore_mem>>)
      %dma_wait3A_25 = tpu.memref_slice %arg2[%mul3A_2] : memref<819200xi32, #tpu.memory_space<hbm>> -> memref<25600xi32, #tpu.memory_space<hbm>>
      %dma_wait3A_26 = tpu.memref_slice %arg2[%mul3A_2] : memref<819200xi32, #tpu.memory_space<hbm>> -> memref<25600xi32, #tpu.memory_space<hbm>>
      tpu.wait_dma2 semaphore(%run_scoped3A : memref<!tpu.dma_semaphore, #tpu.memory_space<semaphore_mem>>) src(%dma_wait3A_26 : memref<25600xi32, #tpu.memory_space<hbm>>) dst(%arg5 : memref<25600xi32, #tpu.memory_space<vmem>>)
      tpu.yield
    }) : () -> ()
    %dma_start3A = arith.constant 0 : i32
    %dma_start3A_3 = tpu.memref_slice %arg5[%dma_start3A] : memref<25600xi32, #tpu.memory_space<vmem>> -> memref<200xi32, #tpu.memory_space<vmem>>
    %dma_start3A_4 = arith.constant 0 : i32
    %dma_start3A_5 = arith.constant 0 : i32
    %dma_start3A_6 = tpu.memref_slice %arg3[%dma_start3A_4, %dma_start3A_5] : memref<1000000x128xf32, #tpu.memory_space<hbm>> -> memref<1000000x128xf32, #tpu.memory_space<hbm>>
    tpu.enqueue_indirect_dma source(%dma_start3A_6 : memref<1000000x128xf32, #tpu.memory_space<hbm>>) target(%arg6 : memref<200x128xf32, #tpu.memory_space<vmem>>) offsets(%dma_start3A_3 : memref<200xi32, #tpu.memory_space<vmem>>) semaphore(%arg10 : memref<!tpu.dma_semaphore, #tpu.memory_space<semaphore_mem>>)
    %scan3A = arith.constant 0 : i32
    %scan3A_7 = arith.constant 64 : i32
    %scan3A_8 = arith.addi %scan3A, %scan3A_7 : i32
    %scan3A_9 = arith.constant 1 : i32
    scf.for %scan3A_23 = %scan3A to %scan3A_8 step %scan3A_9  : i32 {
      %mul3A_24 = arith.constant 2 : i32
      %mul3A_25 = arith.muli %scan3A_23, %mul3A_24 : i32
      %add3A_26 = arith.constant 0 : i32
      %add3A_27 = arith.addi %add3A_26, %mul3A_25 : i32
      %add3A_28 = arith.constant 0 : i32
      %add3A_29 = arith.addi %add3A_27, %add3A_28 : i32
      %add3A_30 = arith.constant 1 : i32
      %add3A_31 = arith.addi %add3A_29, %add3A_30 : i32
      %lt3A = arith.constant 128 : i32
      %lt3A_32 = arith.cmpi slt, %add3A_31, %lt3A : i32
      %convert_element_type3A = arith.extui %lt3A_32 : i1 to i32
      %cond3A = arith.constant 0 : i32
      %cond3A_33 = arith.cmpi ne, %convert_element_type3A, %cond3A : i32
      scf.if %cond3A_33 {
        %add3A_92 = arith.constant 1 : i32
        %add3A_93 = arith.addi %add3A_29, %add3A_92 : i32
        %mul3A_94 = arith.constant 200 : i32
        %mul3A_95 = arith.muli %add3A_93, %mul3A_94 : i32
        %dma_start3A_96 = tpu.memref_slice %arg5[%mul3A_95] : memref<25600xi32, #tpu.memory_space<vmem>> -> memref<200xi32, #tpu.memory_space<vmem>>
        %dma_start3A_97 = arith.constant 0 : i32
        %dma_start3A_98 = arith.constant 0 : i32
        %dma_start3A_99 = tpu.memref_slice %arg3[%dma_start3A_97, %dma_start3A_98] : memref<1000000x128xf32, #tpu.memory_space<hbm>> -> memref<1000000x128xf32, #tpu.memory_space<hbm>>
        tpu.enqueue_indirect_dma source(%dma_start3A_99 : memref<1000000x128xf32, #tpu.memory_space<hbm>>) target(%arg7 : memref<200x128xf32, #tpu.memory_space<vmem>>) offsets(%dma_start3A_96 : memref<200xi32, #tpu.memory_space<vmem>>) semaphore(%arg11 : memref<!tpu.dma_semaphore, #tpu.memory_space<semaphore_mem>>)
      } else {
      }
      %mul3A_34 = arith.constant 200 : i32
      %mul3A_35 = arith.muli %add3A_29, %mul3A_34 : i32
      %dma_wait3A_36 = tpu.memref_slice %arg5[%mul3A_35] : memref<25600xi32, #tpu.memory_space<vmem>> -> memref<200xi32, #tpu.memory_space<vmem>>
      %dma_wait3A_37 = arith.constant 0 : i32
      %dma_wait3A_38 = arith.constant 0 : i32
      %dma_wait3A_39 = tpu.memref_slice %arg3[%dma_wait3A_37, %dma_wait3A_38] : memref<1000000x128xf32, #tpu.memory_space<hbm>> -> memref<1000000x128xf32, #tpu.memory_space<hbm>>
      tpu.wait_indirect_dma semaphore(%arg10 : memref<!tpu.dma_semaphore, #tpu.memory_space<semaphore_mem>>) src(%dma_wait3A_39 : memref<1000000x128xf32, #tpu.memory_space<hbm>>) dst(%arg6 : memref<200x128xf32, #tpu.memory_space<vmem>>)
      %ge3A = arith.constant 2 : i32
      %ge3A_40 = arith.cmpi sge, %add3A_29, %ge3A : i32
      %convert_element_type3A_41 = arith.extui %ge3A_40 : i1 to i32
      %cond3A_42 = arith.constant 0 : i32
      %cond3A_43 = arith.cmpi ne, %convert_element_type3A_41, %cond3A_42 : i32
      scf.if %cond3A_43 {
        %sub3A = arith.constant 2 : i32
        %sub3A_92 = arith.subi %add3A_29, %sub3A : i32
        %mul3A_93 = arith.constant 200 : i32
        %mul3A_94 = arith.muli %sub3A_92, %mul3A_93 : i32
        %add3A_95 = arith.addi %mul3A_2, %mul3A_94 : i32
        %multiple_of3A_96 = tpu.assume_multiple %add3A_95, 8 : i32
        %dma_wait3A_97 = arith.constant 0 : i32
        %dma_wait3A_98 = tpu.memref_slice %arg4[%multiple_of3A_96, %dma_wait3A_97] : memref<819200x64xf32, #tpu.memory_space<hbm>> -> memref<200x64xf32, #tpu.memory_space<hbm>>
        %dma_wait3A_99 = arith.constant 0 : i32
        %dma_wait3A_100 = tpu.memref_slice %arg4[%multiple_of3A_96, %dma_wait3A_99] : memref<819200x64xf32, #tpu.memory_space<hbm>> -> memref<200x64xf32, #tpu.memory_space<hbm>>
        tpu.wait_dma2 semaphore(%arg12 : memref<!tpu.dma_semaphore, #tpu.memory_space<semaphore_mem>>) src(%arg8 : memref<200x64xf32, #tpu.memory_space<vmem>>) dst(%dma_wait3A_100 : memref<200x64xf32, #tpu.memory_space<hbm>>)
      } else {
      }
      %scan3A_44 = arith.constant 0 : i32
      %scan3A_45 = arith.constant 0 : i32
      %scan3A_46 = arith.constant 25 : i32
      %scan3A_47 = arith.addi %scan3A_45, %scan3A_46 : i32
      %scan3A_48 = arith.constant 1 : i32
      scf.for %scan3A_92 = %scan3A_45 to %scan3A_47 step %scan3A_48  : i32 {
        %mul3A_93 = arith.constant 8 : i32
        %mul3A_94 = arith.muli %scan3A_92, %mul3A_93 : i32
        %add3A_95 = arith.constant 0 : i32
        %add3A_96 = arith.addi %mul3A_94, %add3A_95 : i32
        %get3A = arith.index_cast %add3A_96 : i32 to index
        %get3A_97 = arith.constant 0 : index
        %get3A_98 = tpu.vector_load %arg6[%get3A, %get3A_97] {strides = array<i32>} : memref<200x128xf32, #tpu.memory_space<vmem>>, vector<1x16xf32>,
        %get3A_99 = vector.shape_cast %get3A_98 : vector<1x16xf32> to vector<16xf32>
        %mul3A_100 = arith.constant 8.000000e+00 : f32
        %mul3A_101 = vector.broadcast %mul3A_100 : f32 to vector<16xf32>
        %mul3A_102 = arith.mulf %get3A_99, %mul3A_101 : vector<16xf32>
        %mul3A_103 = arith.constant 8 : i32
        %mul3A_104 = arith.muli %scan3A_92, %mul3A_103 : i32
        %add3A_105 = arith.constant 0 : i32
        %add3A_106 = arith.addi %mul3A_104, %add3A_105 : i32
        %swap3A = arith.index_cast %add3A_106 : i32 to index
        %swap3A_107 = arith.constant 0 : index
        %swap3A_108 = tpu.vector_load %arg8[%swap3A, %swap3A_107] {strides = array<i32>} : memref<200x64xf32, #tpu.memory_space<vmem>>, vector<1x16xf32>,
        %swap3A_109 = vector.shape_cast %swap3A_108 : vector<1x16xf32> to vector<16xf32>
        %swap3A_110 = vector.shape_cast %mul3A_102 : vector<16xf32> to vector<1x16xf32>
        tpu.vector_store %arg8[%swap3A, %swap3A_107], %swap3A_110 {strides = array<i32>} : memref<200x64xf32, #tpu.memory_space<vmem>>, vector<1x16xf32>,
        %mul3A_111 = arith.constant 8 : i32
        %mul3A_112 = arith.muli %scan3A_92, %mul3A_111 : i32
        %add3A_113 = arith.constant 0 : i32
        %add3A_114 = arith.addi %mul3A_112, %add3A_113 : i32
        %get3A_115 = arith.index_cast %add3A_114 : i32 to index
        %get3A_116 = arith.constant 16 : index
        %get3A_117 = tpu.vector_load %arg6[%get3A_115, %get3A_116] {strides = array<i32>} : memref<200x128xf32, #tpu.memory_space<vmem>>, vector<1x16xf32>,
        %get3A_118 = vector.shape_cast %get3A_117 : vector<1x16xf32> to vector<16xf32>
        %mul3A_119 = arith.constant 8.000000e+00 : f32
        %mul3A_120 = vector.broadcast %mul3A_119 : f32 to vector<16xf32>
        %mul3A_121 = arith.mulf %get3A_118, %mul3A_120 : vector<16xf32>
        %mul3A_122 = arith.constant 8 : i32
        %mul3A_123 = arith.muli %scan3A_92, %mul3A_122 : i32
        %add3A_124 = arith.constant 0 : i32
        %add3A_125 = arith.addi %mul3A_123, %add3A_124 : i32
        %swap3A_126 = arith.index_cast %add3A_125 : i32 to index
        %swap3A_127 = arith.constant 16 : index
        %swap3A_128 = tpu.vector_load %arg8[%swap3A_126, %swap3A_127] {strides = array<i32>} : memref<200x64xf32, #tpu.memory_space<vmem>>, vector<1x16xf32>,
        %swap3A_129 = vector.shape_cast %swap3A_128 : vector<1x16xf32> to vector<16xf32>
        %swap3A_130 = vector.shape_cast %mul3A_121 : vector<16xf32> to vector<1x16xf32>
        tpu.vector_store %arg8[%swap3A_126, %swap3A_127], %swap3A_130 {strides = array<i32>} : memref<200x64xf32, #tpu.memory_space<vmem>>, vector<1x16xf32>,
        %mul3A_131 = arith.constant 8 : i32
        %mul3A_132 = arith.muli %scan3A_92, %mul3A_131 : i32
        %add3A_133 = arith.constant 0 : i32
        %add3A_134 = arith.addi %mul3A_132, %add3A_133 : i32
        %get3A_135 = arith.index_cast %add3A_134 : i32 to index
        %get3A_136 = arith.constant 32 : index
        %get3A_137 = tpu.vector_load %arg6[%get3A_135, %get3A_136] {strides = array<i32>} : memref<200x128xf32, #tpu.memory_space<vmem>>, vector<1x16xf32>,
        %get3A_138 = vector.shape_cast %get3A_137 : vector<1x16xf32> to vector<16xf32>
        %mul3A_139 = arith.constant 8.000000e+00 : f32
        %mul3A_140 = vector.broadcast %mul3A_139 : f32 to vector<16xf32>
        %mul3A_141 = arith.mulf %get3A_138, %mul3A_140 : vector<16xf32>
        %mul3A_142 = arith.constant 8 : i32
        %mul3A_143 = arith.muli %scan3A_92, %mul3A_142 : i32
        %add3A_144 = arith.constant 0 : i32
        %add3A_145 = arith.addi %mul3A_143, %add3A_144 : i32
        %swap3A_146 = arith.index_cast %add3A_145 : i32 to index
        %swap3A_147 = arith.constant 32 : index
        %swap3A_148 = tpu.vector_load %arg8[%swap3A_146, %swap3A_147] {strides = array<i32>} : memref<200x64xf32, #tpu.memory_space<vmem>>, vector<1x16xf32>,
        %swap3A_149 = vector.shape_cast %swap3A_148 : vector<1x16xf32> to vector<16xf32>
        %swap3A_150 = vector.shape_cast %mul3A_141 : vector<16xf32> to vector<1x16xf32>
        tpu.vector_store %arg8[%swap3A_146, %swap3A_147], %swap3A_150 {strides = array<i32>} : memref<200x64xf32, #tpu.memory_space<vmem>>, vector<1x16xf32>,
        %mul3A_151 = arith.constant 8 : i32
        %mul3A_152 = arith.muli %scan3A_92, %mul3A_151 : i32
        %add3A_153 = arith.constant 0 : i32
        %add3A_154 = arith.addi %mul3A_152, %add3A_153 : i32
        %get3A_155 = arith.index_cast %add3A_154 : i32 to index
        %get3A_156 = arith.constant 48 : index
        %get3A_157 = tpu.vector_load %arg6[%get3A_155, %get3A_156] {strides = array<i32>} : memref<200x128xf32, #tpu.memory_space<vmem>>, vector<1x16xf32>,
        %get3A_158 = vector.shape_cast %get3A_157 : vector<1x16xf32> to vector<16xf32>
        %mul3A_159 = arith.constant 8.000000e+00 : f32
        %mul3A_160 = vector.broadcast %mul3A_159 : f32 to vector<16xf32>
        %mul3A_161 = arith.mulf %get3A_158, %mul3A_160 : vector<16xf32>
        %mul3A_162 = arith.constant 8 : i32
        %mul3A_163 = arith.muli %scan3A_92, %mul3A_162 : i32
        %add3A_164 = arith.constant 0 : i32
        %add3A_165 = arith.addi %mul3A_163, %add3A_164 : i32
        %swap3A_166 = arith.index_cast %add3A_165 : i32 to index
        %swap3A_167 = arith.constant 48 : index
        %swap3A_168 = tpu.vector_load %arg8[%swap3A_166, %swap3A_167] {strides = array<i32>} : memref<200x64xf32, #tpu.memory_space<vmem>>, vector<1x16xf32>,
        %swap3A_169 = vector.shape_cast %swap3A_168 : vector<1x16xf32> to vector<16xf32>
        %swap3A_170 = vector.shape_cast %mul3A_161 : vector<16xf32> to vector<1x16xf32>
        tpu.vector_store %arg8[%swap3A_166, %swap3A_167], %swap3A_170 {strides = array<i32>} : memref<200x64xf32, #tpu.memory_space<vmem>>, vector<1x16xf32>,
        %mul3A_171 = arith.constant 8 : i32
        %mul3A_172 = arith.muli %scan3A_92, %mul3A_171 : i32
        %add3A_173 = arith.constant 1 : i32
        %add3A_174 = arith.addi %mul3A_172, %add3A_173 : i32
        %get3A_175 = arith.index_cast %add3A_174 : i32 to index
        %get3A_176 = arith.constant 0 : index
        %get3A_177 = tpu.vector_load %arg6[%get3A_175, %get3A_176] {strides = array<i32>} : memref<200x128xf32, #tpu.memory_space<vmem>>, vector<1x16xf32>,
        %get3A_178 = vector.shape_cast %get3A_177 : vector<1x16xf32> to vector<16xf32>
        %mul3A_179 = arith.constant 8.000000e+00 : f32
        %mul3A_180 = vector.broadcast %mul3A_179 : f32 to vector<16xf32>
        %mul3A_181 = arith.mulf %get3A_178, %mul3A_180 : vector<16xf32>
        %mul3A_182 = arith.constant 8 : i32
        %mul3A_183 = arith.muli %scan3A_92, %mul3A_182 : i32
        %add3A_184 = arith.constant 1 : i32
        %add3A_185 = arith.addi %mul3A_183, %add3A_184 : i32
        %swap3A_186 = arith.index_cast %add3A_185 : i32 to index
        %swap3A_187 = arith.constant 0 : index
        %swap3A_188 = tpu.vector_load %arg8[%swap3A_186, %swap3A_187] {strides = array<i32>} : memref<200x64xf32, #tpu.memory_space<vmem>>, vector<1x16xf32>,
        %swap3A_189 = vector.shape_cast %swap3A_188 : vector<1x16xf32> to vector<16xf32>
        %swap3A_190 = vector.shape_cast %mul3A_181 : vector<16xf32> to vector<1x16xf32>
        tpu.vector_store %arg8[%swap3A_186, %swap3A_187], %swap3A_190 {strides = array<i32>} : memref<200x64xf32, #tpu.memory_space<vmem>>, vector<1x16xf32>,
        %mul3A_191 = arith.constant 8 : i32
        %mul3A_192 = arith.muli %scan3A_92, %mul3A_191 : i32
        %add3A_193 = arith.constant 1 : i32
        %add3A_194 = arith.addi %mul3A_192, %add3A_193 : i32
        %get3A_195 = arith.index_cast %add3A_194 : i32 to index
        %get3A_196 = arith.constant 16 : index
        %get3A_197 = tpu.vector_load %arg6[%get3A_195, %get3A_196] {strides = array<i32>} : memref<200x128xf32, #tpu.memory_space<vmem>>, vector<1x16xf32>,
        %get3A_198 = vector.shape_cast %get3A_197 : vector<1x16xf32> to vector<16xf32>
        %mul3A_199 = arith.constant 8.000000e+00 : f32
        %mul3A_200 = vector.broadcast %mul3A_199 : f32 to vector<16xf32>
        %mul3A_201 = arith.mulf %get3A_198, %mul3A_200 : vector<16xf32>
        %mul3A_202 = arith.constant 8 : i32
        %mul3A_203 = arith.muli %scan3A_92, %mul3A_202 : i32
        %add3A_204 = arith.constant 1 : i32
        %add3A_205 = arith.addi %mul3A_203, %add3A_204 : i32
        %swap3A_206 = arith.index_cast %add3A_205 : i32 to index
        %swap3A_207 = arith.constant 16 : index
        %swap3A_208 = tpu.vector_load %arg8[%swap3A_206, %swap3A_207] {strides = array<i32>} : memref<200x64xf32, #tpu.memory_space<vmem>>, vector<1x16xf32>,
        %swap3A_209 = vector.shape_cast %swap3A_208 : vector<1x16xf32> to vector<16xf32>
        %swap3A_210 = vector.shape_cast %mul3A_201 : vector<16xf32> to vector<1x16xf32>
        tpu.vector_store %arg8[%swap3A_206, %swap3A_207], %swap3A_210 {strides = array<i32>} : memref<200x64xf32, #tpu.memory_space<vmem>>, vector<1x16xf32>,
        %mul3A_211 = arith.constant 8 : i32
        %mul3A_212 = arith.muli %scan3A_92, %mul3A_211 : i32
        %add3A_213 = arith.constant 1 : i32
        %add3A_214 = arith.addi %mul3A_212, %add3A_213 : i32
        %get3A_215 = arith.index_cast %add3A_214 : i32 to index
        %get3A_216 = arith.constant 32 : index
        %get3A_217 = tpu.vector_load %arg6[%get3A_215, %get3A_216] {strides = array<i32>} : memref<200x128xf32, #tpu.memory_space<vmem>>, vector<1x16xf32>,
        %get3A_218 = vector.shape_cast %get3A_217 : vector<1x16xf32> to vector<16xf32>
        %mul3A_219 = arith.constant 8.000000e+00 : f32
        %mul3A_220 = vector.broadcast %mul3A_219 : f32 to vector<16xf32>
        %mul3A_221 = arith.mulf %get3A_218, %mul3A_220 : vector<16xf32>
        %mul3A_222 = arith.constant 8 : i32
        %mul3A_223 = arith.muli %scan3A_92, %mul3A_222 : i32
        %add3A_224 = arith.constant 1 : i32
        %add3A_225 = arith.addi %mul3A_223, %add3A_224 : i32
        %swap3A_226 = arith.index_cast %add3A_225 : i32 to index
        %swap3A_227 = arith.constant 32 : index
        %swap3A_228 = tpu.vector_load %arg8[%swap3A_226, %swap3A_227] {strides = array<i32>} : memref<200x64xf32, #tpu.memory_space<vmem>>, vector<1x16xf32>,
        %swap3A_229 = vector.shape_cast %swap3A_228 : vector<1x16xf32> to vector<16xf32>
        %swap3A_230 = vector.shape_cast %mul3A_221 : vector<16xf32> to vector<1x16xf32>
        tpu.vector_store %arg8[%swap3A_226, %swap3A_227], %swap3A_230 {strides = array<i32>} : memref<200x64xf32, #tpu.memory_space<vmem>>, vector<1x16xf32>,
        %mul3A_231 = arith.constant 8 : i32
        %mul3A_232 = arith.muli %scan3A_92, %mul3A_231 : i32
        %add3A_233 = arith.constant 1 : i32
        %add3A_234 = arith.addi %mul3A_232, %add3A_233 : i32
        %get3A_235 = arith.index_cast %add3A_234 : i32 to index
        %get3A_236 = arith.constant 48 : index
        %get3A_237 = tpu.vector_load %arg6[%get3A_235, %get3A_236] {strides = array<i32>} : memref<200x128xf32, #tpu.memory_space<vmem>>, vector<1x16xf32>,
        %get3A_238 = vector.shape_cast %get3A_237 : vector<1x16xf32> to vector<16xf32>
        %mul3A_239 = arith.constant 8.000000e+00 : f32
        %mul3A_240 = vector.broadcast %mul3A_239 : f32 to vector<16xf32>
        %mul3A_241 = arith.mulf %get3A_238, %mul3A_240 : vector<16xf32>
        %mul3A_242 = arith.constant 8 : i32
        %mul3A_243 = arith.muli %scan3A_92, %mul3A_242 : i32
        %add3A_244 = arith.constant 1 : i32
        %add3A_245 = arith.addi %mul3A_243, %add3A_244 : i32
        %swap3A_246 = arith.index_cast %add3A_245 : i32 to index
        %swap3A_247 = arith.constant 48 : index
        %swap3A_248 = tpu.vector_load %arg8[%swap3A_246, %swap3A_247] {strides = array<i32>} : memref<200x64xf32, #tpu.memory_space<vmem>>, vector<1x16xf32>,
        %swap3A_249 = vector.shape_cast %swap3A_248 : vector<1x16xf32> to vector<16xf32>
        %swap3A_250 = vector.shape_cast %mul3A_241 : vector<16xf32> to vector<1x16xf32>
        tpu.vector_store %arg8[%swap3A_246, %swap3A_247], %swap3A_250 {strides = array<i32>} : memref<200x64xf32, #tpu.memory_space<vmem>>, vector<1x16xf32>,
        %mul3A_251 = arith.constant 8 : i32
        %mul3A_252 = arith.muli %scan3A_92, %mul3A_251 : i32
        %add3A_253 = arith.constant 2 : i32
        %add3A_254 = arith.addi %mul3A_252, %add3A_253 : i32
        %get3A_255 = arith.index_cast %add3A_254 : i32 to index
        %get3A_256 = arith.constant 0 : index
        %get3A_257 = tpu.vector_load %arg6[%get3A_255, %get3A_256] {strides = array<i32>} : memref<200x128xf32, #tpu.memory_space<vmem>>, vector<1x16xf32>,
        %get3A_258 = vector.shape_cast %get3A_257 : vector<1x16xf32> to vector<16xf32>
        %mul3A_259 = arith.constant 8.000000e+00 : f32
        %mul3A_260 = vector.broadcast %mul3A_259 : f32 to vector<16xf32>
        %mul3A_261 = arith.mulf %get3A_258, %mul3A_260 : vector<16xf32>
        %mul3A_262 = arith.constant 8 : i32
        %mul3A_263 = arith.muli %scan3A_92, %mul3A_262 : i32
        %add3A_264 = arith.constant 2 : i32
        %add3A_265 = arith.addi %mul3A_263, %add3A_264 : i32
        %swap3A_266 = arith.index_cast %add3A_265 : i32 to index
        %swap3A_267 = arith.constant 0 : index
        %swap3A_268 = tpu.vector_load %arg8[%swap3A_266, %swap3A_267] {strides = array<i32>} : memref<200x64xf32, #tpu.memory_space<vmem>>, vector<1x16xf32>,
        %swap3A_269 = vector.shape_cast %swap3A_268 : vector<1x16xf32> to vector<16xf32>
        %swap3A_270 = vector.shape_cast %mul3A_261 : vector<16xf32> to vector<1x16xf32>
        tpu.vector_store %arg8[%swap3A_266, %swap3A_267], %swap3A_270 {strides = array<i32>} : memref<200x64xf32, #tpu.memory_space<vmem>>, vector<1x16xf32>,
        %mul3A_271 = arith.constant 8 : i32
        %mul3A_272 = arith.muli %scan3A_92, %mul3A_271 : i32
        %add3A_273 = arith.constant 2 : i32
        %add3A_274 = arith.addi %mul3A_272, %add3A_273 : i32
        %get3A_275 = arith.index_cast %add3A_274 : i32 to index
        %get3A_276 = arith.constant 16 : index
        %get3A_277 = tpu.vector_load %arg6[%get3A_275, %get3A_276] {strides = array<i32>} : memref<200x128xf32, #tpu.memory_space<vmem>>, vector<1x16xf32>,
        %get3A_278 = vector.shape_cast %get3A_277 : vector<1x16xf32> to vector<16xf32>
        %mul3A_279 = arith.constant 8.000000e+00 : f32
        %mul3A_280 = vector.broadcast %mul3A_279 : f32 to vector<16xf32>
        %mul3A_281 = arith.mulf %get3A_278, %mul3A_280 : vector<16xf32>
        %mul3A_282 = arith.constant 8 : i32
        %mul3A_283 = arith.muli %scan3A_92, %mul3A_282 : i32
        %add3A_284 = arith.constant 2 : i32
        %add3A_285 = arith.addi %mul3A_283, %add3A_284 : i32
        %swap3A_286 = arith.index_cast %add3A_285 : i32 to index
        %swap3A_287 = arith.constant 16 : index
        %swap3A_288 = tpu.vector_load %arg8[%swap3A_286, %swap3A_287] {strides = array<i32>} : memref<200x64xf32, #tpu.memory_space<vmem>>, vector<1x16xf32>,
        %swap3A_289 = vector.shape_cast %swap3A_288 : vector<1x16xf32> to vector<16xf32>
        %swap3A_290 = vector.shape_cast %mul3A_281 : vector<16xf32> to vector<1x16xf32>
        tpu.vector_store %arg8[%swap3A_286, %swap3A_287], %swap3A_290 {strides = array<i32>} : memref<200x64xf32, #tpu.memory_space<vmem>>, vector<1x16xf32>,
        %mul3A_291 = arith.constant 8 : i32
        %mul3A_292 = arith.muli %scan3A_92, %mul3A_291 : i32
        %add3A_293 = arith.constant 2 : i32
        %add3A_294 = arith.addi %mul3A_292, %add3A_293 : i32
        %get3A_295 = arith.index_cast %add3A_294 : i32 to index
        %get3A_296 = arith.constant 32 : index
        %get3A_297 = tpu.vector_load %arg6[%get3A_295, %get3A_296] {strides = array<i32>} : memref<200x128xf32, #tpu.memory_space<vmem>>, vector<1x16xf32>,
        %get3A_298 = vector.shape_cast %get3A_297 : vector<1x16xf32> to vector<16xf32>
        %mul3A_299 = arith.constant 8.000000e+00 : f32
        %mul3A_300 = vector.broadcast %mul3A_299 : f32 to vector<16xf32>
        %mul3A_301 = arith.mulf %get3A_298, %mul3A_300 : vector<16xf32>
        %mul3A_302 = arith.constant 8 : i32
        %mul3A_303 = arith.muli %scan3A_92, %mul3A_302 : i32
        %add3A_304 = arith.constant 2 : i32
        %add3A_305 = arith.addi %mul3A_303, %add3A_304 : i32
        %swap3A_306 = arith.index_cast %add3A_305 : i32 to index
        %swap3A_307 = arith.constant 32 : index
        %swap3A_308 = tpu.vector_load %arg8[%swap3A_306, %swap3A_307] {strides = array<i32>} : memref<200x64xf32, #tpu.memory_space<vmem>>, vector<1x16xf32>,
        %swap3A_309 = vector.shape_cast %swap3A_308 : vector<1x16xf32> to vector<16xf32>
        %swap3A_310 = vector.shape_cast %mul3A_301 : vector<16xf32> to vector<1x16xf32>
        tpu.vector_store %arg8[%swap3A_306, %swap3A_307], %swap3A_310 {strides = array<i32>} : memref<200x64xf32, #tpu.memory_space<vmem>>, vector<1x16xf32>,
        %mul3A_311 = arith.constant 8 : i32
        %mul3A_312 = arith.muli %scan3A_92, %mul3A_311 : i32
        %add3A_313 = arith.constant 2 : i32
        %add3A_314 = arith.addi %mul3A_312, %add3A_313 : i32
        %get3A_315 = arith.index_cast %add3A_314 : i32 to index
        %get3A_316 = arith.constant 48 : index
        %get3A_317 = tpu.vector_load %arg6[%get3A_315, %get3A_316] {strides = array<i32>} : memref<200x128xf32, #tpu.memory_space<vmem>>, vector<1x16xf32>,
        %get3A_318 = vector.shape_cast %get3A_317 : vector<1x16xf32> to vector<16xf32>
        %mul3A_319 = arith.constant 8.000000e+00 : f32
        %mul3A_320 = vector.broadcast %mul3A_319 : f32 to vector<16xf32>
        %mul3A_321 = arith.mulf %get3A_318, %mul3A_320 : vector<16xf32>
        %mul3A_322 = arith.constant 8 : i32
        %mul3A_323 = arith.muli %scan3A_92, %mul3A_322 : i32
        %add3A_324 = arith.constant 2 : i32
        %add3A_325 = arith.addi %mul3A_323, %add3A_324 : i32
        %swap3A_326 = arith.index_cast %add3A_325 : i32 to index
        %swap3A_327 = arith.constant 48 : index
        %swap3A_328 = tpu.vector_load %arg8[%swap3A_326, %swap3A_327] {strides = array<i32>} : memref<200x64xf32, #tpu.memory_space<vmem>>, vector<1x16xf32>,
        %swap3A_329 = vector.shape_cast %swap3A_328 : vector<1x16xf32> to vector<16xf32>
        %swap3A_330 = vector.shape_cast %mul3A_321 : vector<16xf32> to vector<1x16xf32>
        tpu.vector_store %arg8[%swap3A_326, %swap3A_327], %swap3A_330 {strides = array<i32>} : memref<200x64xf32, #tpu.memory_space<vmem>>, vector<1x16xf32>,
        %mul3A_331 = arith.constant 8 : i32
        %mul3A_332 = arith.muli %scan3A_92, %mul3A_331 : i32
        %add3A_333 = arith.constant 3 : i32
        %add3A_334 = arith.addi %mul3A_332, %add3A_333 : i32
        %get3A_335 = arith.index_cast %add3A_334 : i32 to index
        %get3A_336 = arith.constant 0 : index
        %get3A_337 = tpu.vector_load %arg6[%get3A_335, %get3A_336] {strides = array<i32>} : memref<200x128xf32, #tpu.memory_space<vmem>>, vector<1x16xf32>,
        %get3A_338 = vector.shape_cast %get3A_337 : vector<1x16xf32> to vector<16xf32>
        %mul3A_339 = arith.constant 8.000000e+00 : f32
        %mul3A_340 = vector.broadcast %mul3A_339 : f32 to vector<16xf32>
        %mul3A_341 = arith.mulf %get3A_338, %mul3A_340 : vector<16xf32>
        %mul3A_342 = arith.constant 8 : i32
        %mul3A_343 = arith.muli %scan3A_92, %mul3A_342 : i32
        %add3A_344 = arith.constant 3 : i32
        %add3A_345 = arith.addi %mul3A_343, %add3A_344 : i32
        %swap3A_346 = arith.index_cast %add3A_345 : i32 to index
        %swap3A_347 = arith.constant 0 : index
        %swap3A_348 = tpu.vector_load %arg8[%swap3A_346, %swap3A_347] {strides = array<i32>} : memref<200x64xf32, #tpu.memory_space<vmem>>, vector<1x16xf32>,
        %swap3A_349 = vector.shape_cast %swap3A_348 : vector<1x16xf32> to vector<16xf32>
        %swap3A_350 = vector.shape_cast %mul3A_341 : vector<16xf32> to vector<1x16xf32>
        tpu.vector_store %arg8[%swap3A_346, %swap3A_347], %swap3A_350 {strides = array<i32>} : memref<200x64xf32, #tpu.memory_space<vmem>>, vector<1x16xf32>,
        %mul3A_351 = arith.constant 8 : i32
        %mul3A_352 = arith.muli %scan3A_92, %mul3A_351 : i32
        %add3A_353 = arith.constant 3 : i32
        %add3A_354 = arith.addi %mul3A_352, %add3A_353 : i32
        %get3A_355 = arith.index_cast %add3A_354 : i32 to index
        %get3A_356 = arith.constant 16 : index
        %get3A_357 = tpu.vector_load %arg6[%get3A_355, %get3A_356] {strides = array<i32>} : memref<200x128xf32, #tpu.memory_space<vmem>>, vector<1x16xf32>,
        %get3A_358 = vector.shape_cast %get3A_357 : vector<1x16xf32> to vector<16xf32>
        %mul3A_359 = arith.constant 8.000000e+00 : f32
        %mul3A_360 = vector.broadcast %mul3A_359 : f32 to vector<16xf32>
        %mul3A_361 = arith.mulf %get3A_358, %mul3A_360 : vector<16xf32>
        %mul3A_362 = arith.constant 8 : i32
        %mul3A_363 = arith.muli %scan3A_92, %mul3A_362 : i32
        %add3A_364 = arith.constant 3 : i32
        %add3A_365 = arith.addi %mul3A_363, %add3A_364 : i32
        %swap3A_366 = arith.index_cast %add3A_365 : i32 to index
        %swap3A_367 = arith.constant 16 : index
        %swap3A_368 = tpu.vector_load %arg8[%swap3A_366, %swap3A_367] {strides = array<i32>} : memref<200x64xf32, #tpu.memory_space<vmem>>, vector<1x16xf32>,
        %swap3A_369 = vector.shape_cast %swap3A_368 : vector<1x16xf32> to vector<16xf32>
        %swap3A_370 = vector.shape_cast %mul3A_361 : vector<16xf32> to vector<1x16xf32>
        tpu.vector_store %arg8[%swap3A_366, %swap3A_367], %swap3A_370 {strides = array<i32>} : memref<200x64xf32, #tpu.memory_space<vmem>>, vector<1x16xf32>,
        %mul3A_371 = arith.constant 8 : i32
        %mul3A_372 = arith.muli %scan3A_92, %mul3A_371 : i32
        %add3A_373 = arith.constant 3 : i32
        %add3A_374 = arith.addi %mul3A_372, %add3A_373 : i32
        %get3A_375 = arith.index_cast %add3A_374 : i32 to index
        %get3A_376 = arith.constant 32 : index
        %get3A_377 = tpu.vector_load %arg6[%get3A_375, %get3A_376] {strides = array<i32>} : memref<200x128xf32, #tpu.memory_space<vmem>>, vector<1x16xf32>,
        %get3A_378 = vector.shape_cast %get3A_377 : vector<1x16xf32> to vector<16xf32>
        %mul3A_379 = arith.constant 8.000000e+00 : f32
        %mul3A_380 = vector.broadcast %mul3A_379 : f32 to vector<16xf32>
        %mul3A_381 = arith.mulf %get3A_378, %mul3A_380 : vector<16xf32>
        %mul3A_382 = arith.constant 8 : i32
        %mul3A_383 = arith.muli %scan3A_92, %mul3A_382 : i32
        %add3A_384 = arith.constant 3 : i32
        %add3A_385 = arith.addi %mul3A_383, %add3A_384 : i32
        %swap3A_386 = arith.index_cast %add3A_385 : i32 to index
        %swap3A_387 = arith.constant 32 : index
        %swap3A_388 = tpu.vector_load %arg8[%swap3A_386, %swap3A_387] {strides = array<i32>} : memref<200x64xf32, #tpu.memory_space<vmem>>, vector<1x16xf32>,
        %swap3A_389 = vector.shape_cast %swap3A_388 : vector<1x16xf32> to vector<16xf32>
        %swap3A_390 = vector.shape_cast %mul3A_381 : vector<16xf32> to vector<1x16xf32>
        tpu.vector_store %arg8[%swap3A_386, %swap3A_387], %swap3A_390 {strides = array<i32>} : memref<200x64xf32, #tpu.memory_space<vmem>>, vector<1x16xf32>,
        %mul3A_391 = arith.constant 8 : i32
        %mul3A_392 = arith.muli %scan3A_92, %mul3A_391 : i32
        %add3A_393 = arith.constant 3 : i32
        %add3A_394 = arith.addi %mul3A_392, %add3A_393 : i32
        %get3A_395 = arith.index_cast %add3A_394 : i32 to index
        %get3A_396 = arith.constant 48 : index
        %get3A_397 = tpu.vector_load %arg6[%get3A_395, %get3A_396] {strides = array<i32>} : memref<200x128xf32, #tpu.memory_space<vmem>>, vector<1x16xf32>,
        %get3A_398 = vector.shape_cast %get3A_397 : vector<1x16xf32> to vector<16xf32>
        %mul3A_399 = arith.constant 8.000000e+00 : f32
        %mul3A_400 = vector.broadcast %mul3A_399 : f32 to vector<16xf32>
        %mul3A_401 = arith.mulf %get3A_398, %mul3A_400 : vector<16xf32>
        %mul3A_402 = arith.constant 8 : i32
        %mul3A_403 = arith.muli %scan3A_92, %mul3A_402 : i32
        %add3A_404 = arith.constant 3 : i32
        %add3A_405 = arith.addi %mul3A_403, %add3A_404 : i32
        %swap3A_406 = arith.index_cast %add3A_405 : i32 to index
        %swap3A_407 = arith.constant 48 : index
        %swap3A_408 = tpu.vector_load %arg8[%swap3A_406, %swap3A_407] {strides = array<i32>} : memref<200x64xf32, #tpu.memory_space<vmem>>, vector<1x16xf32>,
        %swap3A_409 = vector.shape_cast %swap3A_408 : vector<1x16xf32> to vector<16xf32>
        %swap3A_410 = vector.shape_cast %mul3A_401 : vector<16xf32> to vector<1x16xf32>
        tpu.vector_store %arg8[%swap3A_406, %swap3A_407], %swap3A_410 {strides = array<i32>} : memref<200x64xf32, #tpu.memory_space<vmem>>, vector<1x16xf32>,
        %mul3A_411 = arith.constant 8 : i32
        %mul3A_412 = arith.muli %scan3A_92, %mul3A_411 : i32
        %add3A_413 = arith.constant 4 : i32
        %add3A_414 = arith.addi %mul3A_412, %add3A_413 : i32
        %get3A_415 = arith.index_cast %add3A_414 : i32 to index
        %get3A_416 = arith.constant 0 : index
        %get3A_417 = tpu.vector_load %arg6[%get3A_415, %get3A_416] {strides = array<i32>} : memref<200x128xf32, #tpu.memory_space<vmem>>, vector<1x16xf32>,
        %get3A_418 = vector.shape_cast %get3A_417 : vector<1x16xf32> to vector<16xf32>
        %mul3A_419 = arith.constant 8.000000e+00 : f32
        %mul3A_420 = vector.broadcast %mul3A_419 : f32 to vector<16xf32>
        %mul3A_421 = arith.mulf %get3A_418, %mul3A_420 : vector<16xf32>
        %mul3A_422 = arith.constant 8 : i32
        %mul3A_423 = arith.muli %scan3A_92, %mul3A_422 : i32
        %add3A_424 = arith.constant 4 : i32
        %add3A_425 = arith.addi %mul3A_423, %add3A_424 : i32
        %swap3A_426 = arith.index_cast %add3A_425 : i32 to index
        %swap3A_427 = arith.constant 0 : index
        %swap3A_428 = tpu.vector_load %arg8[%swap3A_426, %swap3A_427] {strides = array<i32>} : memref<200x64xf32, #tpu.memory_space<vmem>>, vector<1x16xf32>,
        %swap3A_429 = vector.shape_cast %swap3A_428 : vector<1x16xf32> to vector<16xf32>
        %swap3A_430 = vector.shape_cast %mul3A_421 : vector<16xf32> to vector<1x16xf32>
        tpu.vector_store %arg8[%swap3A_426, %swap3A_427], %swap3A_430 {strides = array<i32>} : memref<200x64xf32, #tpu.memory_space<vmem>>, vector<1x16xf32>,
        %mul3A_431 = arith.constant 8 : i32
        %mul3A_432 = arith.muli %scan3A_92, %mul3A_431 : i32
        %add3A_433 = arith.constant 4 : i32
        %add3A_434 = arith.addi %mul3A_432, %add3A_433 : i32
        %get3A_435 = arith.index_cast %add3A_434 : i32 to index
        %get3A_436 = arith.constant 16 : index
        %get3A_437 = tpu.vector_load %arg6[%get3A_435, %get3A_436] {strides = array<i32>} : memref<200x128xf32, #tpu.memory_space<vmem>>, vector<1x16xf32>,
        %get3A_438 = vector.shape_cast %get3A_437 : vector<1x16xf32> to vector<16xf32>
        %mul3A_439 = arith.constant 8.000000e+00 : f32
        %mul3A_440 = vector.broadcast %mul3A_439 : f32 to vector<16xf32>
        %mul3A_441 = arith.mulf %get3A_438, %mul3A_440 : vector<16xf32>
        %mul3A_442 = arith.constant 8 : i32
        %mul3A_443 = arith.muli %scan3A_92, %mul3A_442 : i32
        %add3A_444 = arith.constant 4 : i32
        %add3A_445 = arith.addi %mul3A_443, %add3A_444 : i32
        %swap3A_446 = arith.index_cast %add3A_445 : i32 to index
        %swap3A_447 = arith.constant 16 : index
        %swap3A_448 = tpu.vector_load %arg8[%swap3A_446, %swap3A_447] {strides = array<i32>} : memref<200x64xf32, #tpu.memory_space<vmem>>, vector<1x16xf32>,
        %swap3A_449 = vector.shape_cast %swap3A_448 : vector<1x16xf32> to vector<16xf32>
        %swap3A_450 = vector.shape_cast %mul3A_441 : vector<16xf32> to vector<1x16xf32>
        tpu.vector_store %arg8[%swap3A_446, %swap3A_447], %swap3A_450 {strides = array<i32>} : memref<200x64xf32, #tpu.memory_space<vmem>>, vector<1x16xf32>,
        %mul3A_451 = arith.constant 8 : i32
        %mul3A_452 = arith.muli %scan3A_92, %mul3A_451 : i32
        %add3A_453 = arith.constant 4 : i32
        %add3A_454 = arith.addi %mul3A_452, %add3A_453 : i32
        %get3A_455 = arith.index_cast %add3A_454 : i32 to index
        %get3A_456 = arith.constant 32 : index
        %get3A_457 = tpu.vector_load %arg6[%get3A_455, %get3A_456] {strides = array<i32>} : memref<200x128xf32, #tpu.memory_space<vmem>>, vector<1x16xf32>,
        %get3A_458 = vector.shape_cast %get3A_457 : vector<1x16xf32> to vector<16xf32>
        %mul3A_459 = arith.constant 8.000000e+00 : f32
        %mul3A_460 = vector.broadcast %mul3A_459 : f32 to vector<16xf32>
        %mul3A_461 = arith.mulf %get3A_458, %mul3A_460 : vector<16xf32>
        %mul3A_462 = arith.constant 8 : i32
        %mul3A_463 = arith.muli %scan3A_92, %mul3A_462 : i32
        %add3A_464 = arith.constant 4 : i32
        %add3A_465 = arith.addi %mul3A_463, %add3A_464 : i32
        %swap3A_466 = arith.index_cast %add3A_465 : i32 to index
        %swap3A_467 = arith.constant 32 : index
        %swap3A_468 = tpu.vector_load %arg8[%swap3A_466, %swap3A_467] {strides = array<i32>} : memref<200x64xf32, #tpu.memory_space<vmem>>, vector<1x16xf32>,
        %swap3A_469 = vector.shape_cast %swap3A_468 : vector<1x16xf32> to vector<16xf32>
        %swap3A_470 = vector.shape_cast %mul3A_461 : vector<16xf32> to vector<1x16xf32>
        tpu.vector_store %arg8[%swap3A_466, %swap3A_467], %swap3A_470 {strides = array<i32>} : memref<200x64xf32, #tpu.memory_space<vmem>>, vector<1x16xf32>,
        %mul3A_471 = arith.constant 8 : i32
        %mul3A_472 = arith.muli %scan3A_92, %mul3A_471 : i32
        %add3A_473 = arith.constant 4 : i32
        %add3A_474 = arith.addi %mul3A_472, %add3A_473 : i32
        %get3A_475 = arith.index_cast %add3A_474 : i32 to index
        %get3A_476 = arith.constant 48 : index
        %get3A_477 = tpu.vector_load %arg6[%get3A_475, %get3A_476] {strides = array<i32>} : memref<200x128xf32, #tpu.memory_space<vmem>>, vector<1x16xf32>,
        %get3A_478 = vector.shape_cast %get3A_477 : vector<1x16xf32> to vector<16xf32>
        %mul3A_479 = arith.constant 8.000000e+00 : f32
        %mul3A_480 = vector.broadcast %mul3A_479 : f32 to vector<16xf32>
        %mul3A_481 = arith.mulf %get3A_478, %mul3A_480 : vector<16xf32>
        %mul3A_482 = arith.constant 8 : i32
        %mul3A_483 = arith.muli %scan3A_92, %mul3A_482 : i32
        %add3A_484 = arith.constant 4 : i32
        %add3A_485 = arith.addi %mul3A_483, %add3A_484 : i32
        %swap3A_486 = arith.index_cast %add3A_485 : i32 to index
        %swap3A_487 = arith.constant 48 : index
        %swap3A_488 = tpu.vector_load %arg8[%swap3A_486, %swap3A_487] {strides = array<i32>} : memref<200x64xf32, #tpu.memory_space<vmem>>, vector<1x16xf32>,
        %swap3A_489 = vector.shape_cast %swap3A_488 : vector<1x16xf32> to vector<16xf32>
        %swap3A_490 = vector.shape_cast %mul3A_481 : vector<16xf32> to vector<1x16xf32>
        tpu.vector_store %arg8[%swap3A_486, %swap3A_487], %swap3A_490 {strides = array<i32>} : memref<200x64xf32, #tpu.memory_space<vmem>>, vector<1x16xf32>,
        %mul3A_491 = arith.constant 8 : i32
        %mul3A_492 = arith.muli %scan3A_92, %mul3A_491 : i32
        %add3A_493 = arith.constant 5 : i32
        %add3A_494 = arith.addi %mul3A_492, %add3A_493 : i32
        %get3A_495 = arith.index_cast %add3A_494 : i32 to index
        %get3A_496 = arith.constant 0 : index
        %get3A_497 = tpu.vector_load %arg6[%get3A_495, %get3A_496] {strides = array<i32>} : memref<200x128xf32, #tpu.memory_space<vmem>>, vector<1x16xf32>,
        %get3A_498 = vector.shape_cast %get3A_497 : vector<1x16xf32> to vector<16xf32>
        %mul3A_499 = arith.constant 8.000000e+00 : f32
        %mul3A_500 = vector.broadcast %mul3A_499 : f32 to vector<16xf32>
        %mul3A_501 = arith.mulf %get3A_498, %mul3A_500 : vector<16xf32>
        %mul3A_502 = arith.constant 8 : i32
        %mul3A_503 = arith.muli %scan3A_92, %mul3A_502 : i32
        %add3A_504 = arith.constant 5 : i32
        %add3A_505 = arith.addi %mul3A_503, %add3A_504 : i32
        %swap3A_506 = arith.index_cast %add3A_505 : i32 to index
        %swap3A_507 = arith.constant 0 : index
        %swap3A_508 = tpu.vector_load %arg8[%swap3A_506, %swap3A_507] {strides = array<i32>} : memref<200x64xf32, #tpu.memory_space<vmem>>, vector<1x16xf32>,
        %swap3A_509 = vector.shape_cast %swap3A_508 : vector<1x16xf32> to vector<16xf32>
        %swap3A_510 = vector.shape_cast %mul3A_501 : vector<16xf32> to vector<1x16xf32>
        tpu.vector_store %arg8[%swap3A_506, %swap3A_507], %swap3A_510 {strides = array<i32>} : memref<200x64xf32, #tpu.memory_space<vmem>>, vector<1x16xf32>,
        %mul3A_511 = arith.constant 8 : i32
        %mul3A_512 = arith.muli %scan3A_92, %mul3A_511 : i32
        %add3A_513 = arith.constant 5 : i32
        %add3A_514 = arith.addi %mul3A_512, %add3A_513 : i32
        %get3A_515 = arith.index_cast %add3A_514 : i32 to index
        %get3A_516 = arith.constant 16 : index
        %get3A_517 = tpu.vector_load %arg6[%get3A_515, %get3A_516] {strides = array<i32>} : memref<200x128xf32, #tpu.memory_space<vmem>>, vector<1x16xf32>,
        %get3A_518 = vector.shape_cast %get3A_517 : vector<1x16xf32> to vector<16xf32>
        %mul3A_519 = arith.constant 8.000000e+00 : f32
        %mul3A_520 = vector.broadcast %mul3A_519 : f32 to vector<16xf32>
        %mul3A_521 = arith.mulf %get3A_518, %mul3A_520 : vector<16xf32>
        %mul3A_522 = arith.constant 8 : i32
        %mul3A_523 = arith.muli %scan3A_92, %mul3A_522 : i32
        %add3A_524 = arith.constant 5 : i32
        %add3A_525 = arith.addi %mul3A_523, %add3A_524 : i32
        %swap3A_526 = arith.index_cast %add3A_525 : i32 to index
        %swap3A_527 = arith.constant 16 : index
        %swap3A_528 = tpu.vector_load %arg8[%swap3A_526, %swap3A_527] {strides = array<i32>} : memref<200x64xf32, #tpu.memory_space<vmem>>, vector<1x16xf32>,
        %swap3A_529 = vector.shape_cast %swap3A_528 : vector<1x16xf32> to vector<16xf32>
        %swap3A_530 = vector.shape_cast %mul3A_521 : vector<16xf32> to vector<1x16xf32>
        tpu.vector_store %arg8[%swap3A_526, %swap3A_527], %swap3A_530 {strides = array<i32>} : memref<200x64xf32, #tpu.memory_space<vmem>>, vector<1x16xf32>,
        %mul3A_531 = arith.constant 8 : i32
        %mul3A_532 = arith.muli %scan3A_92, %mul3A_531 : i32
        %add3A_533 = arith.constant 5 : i32
        %add3A_534 = arith.addi %mul3A_532, %add3A_533 : i32
        %get3A_535 = arith.index_cast %add3A_534 : i32 to index
        %get3A_536 = arith.constant 32 : index
        %get3A_537 = tpu.vector_load %arg6[%get3A_535, %get3A_536] {strides = array<i32>} : memref<200x128xf32, #tpu.memory_space<vmem>>, vector<1x16xf32>,
        %get3A_538 = vector.shape_cast %get3A_537 : vector<1x16xf32> to vector<16xf32>
        %mul3A_539 = arith.constant 8.000000e+00 : f32
        %mul3A_540 = vector.broadcast %mul3A_539 : f32 to vector<16xf32>
        %mul3A_541 = arith.mulf %get3A_538, %mul3A_540 : vector<16xf32>
        %mul3A_542 = arith.constant 8 : i32
        %mul3A_543 = arith.muli %scan3A_92, %mul3A_542 : i32
        %add3A_544 = arith.constant 5 : i32
        %add3A_545 = arith.addi %mul3A_543, %add3A_544 : i32
        %swap3A_546 = arith.index_cast %add3A_545 : i32 to index
        %swap3A_547 = arith.constant 32 : index
        %swap3A_548 = tpu.vector_load %arg8[%swap3A_546, %swap3A_547] {strides = array<i32>} : memref<200x64xf32, #tpu.memory_space<vmem>>, vector<1x16xf32>,
        %swap3A_549 = vector.shape_cast %swap3A_548 : vector<1x16xf32> to vector<16xf32>
        %swap3A_550 = vector.shape_cast %mul3A_541 : vector<16xf32> to vector<1x16xf32>
        tpu.vector_store %arg8[%swap3A_546, %swap3A_547], %swap3A_550 {strides = array<i32>} : memref<200x64xf32, #tpu.memory_space<vmem>>, vector<1x16xf32>,
        %mul3A_551 = arith.constant 8 : i32
        %mul3A_552 = arith.muli %scan3A_92, %mul3A_551 : i32
        %add3A_553 = arith.constant 5 : i32
        %add3A_554 = arith.addi %mul3A_552, %add3A_553 : i32
        %get3A_555 = arith.index_cast %add3A_554 : i32 to index
        %get3A_556 = arith.constant 48 : index
        %get3A_557 = tpu.vector_load %arg6[%get3A_555, %get3A_556] {strides = array<i32>} : memref<200x128xf32, #tpu.memory_space<vmem>>, vector<1x16xf32>,
        %get3A_558 = vector.shape_cast %get3A_557 : vector<1x16xf32> to vector<16xf32>
        %mul3A_559 = arith.constant 8.000000e+00 : f32
        %mul3A_560 = vector.broadcast %mul3A_559 : f32 to vector<16xf32>
        %mul3A_561 = arith.mulf %get3A_558, %mul3A_560 : vector<16xf32>
        %mul3A_562 = arith.constant 8 : i32
        %mul3A_563 = arith.muli %scan3A_92, %mul3A_562 : i32
        %add3A_564 = arith.constant 5 : i32
        %add3A_565 = arith.addi %mul3A_563, %add3A_564 : i32
        %swap3A_566 = arith.index_cast %add3A_565 : i32 to index
        %swap3A_567 = arith.constant 48 : index
        %swap3A_568 = tpu.vector_load %arg8[%swap3A_566, %swap3A_567] {strides = array<i32>} : memref<200x64xf32, #tpu.memory_space<vmem>>, vector<1x16xf32>,
        %swap3A_569 = vector.shape_cast %swap3A_568 : vector<1x16xf32> to vector<16xf32>
        %swap3A_570 = vector.shape_cast %mul3A_561 : vector<16xf32> to vector<1x16xf32>
        tpu.vector_store %arg8[%swap3A_566, %swap3A_567], %swap3A_570 {strides = array<i32>} : memref<200x64xf32, #tpu.memory_space<vmem>>, vector<1x16xf32>,
        %mul3A_571 = arith.constant 8 : i32
        %mul3A_572 = arith.muli %scan3A_92, %mul3A_571 : i32
        %add3A_573 = arith.constant 6 : i32
        %add3A_574 = arith.addi %mul3A_572, %add3A_573 : i32
        %get3A_575 = arith.index_cast %add3A_574 : i32 to index
        %get3A_576 = arith.constant 0 : index
        %get3A_577 = tpu.vector_load %arg6[%get3A_575, %get3A_576] {strides = array<i32>} : memref<200x128xf32, #tpu.memory_space<vmem>>, vector<1x16xf32>,
        %get3A_578 = vector.shape_cast %get3A_577 : vector<1x16xf32> to vector<16xf32>
        %mul3A_579 = arith.constant 8.000000e+00 : f32
        %mul3A_580 = vector.broadcast %mul3A_579 : f32 to vector<16xf32>
        %mul3A_581 = arith.mulf %get3A_578, %mul3A_580 : vector<16xf32>
        %mul3A_582 = arith.constant 8 : i32
        %mul3A_583 = arith.muli %scan3A_92, %mul3A_582 : i32
        %add3A_584 = arith.constant 6 : i32
        %add3A_585 = arith.addi %mul3A_583, %add3A_584 : i32
        %swap3A_586 = arith.index_cast %add3A_585 : i32 to index
        %swap3A_587 = arith.constant 0 : index
        %swap3A_588 = tpu.vector_load %arg8[%swap3A_586, %swap3A_587] {strides = array<i32>} : memref<200x64xf32, #tpu.memory_space<vmem>>, vector<1x16xf32>,
        %swap3A_589 = vector.shape_cast %swap3A_588 : vector<1x16xf32> to vector<16xf32>
        %swap3A_590 = vector.shape_cast %mul3A_581 : vector<16xf32> to vector<1x16xf32>
        tpu.vector_store %arg8[%swap3A_586, %swap3A_587], %swap3A_590 {strides = array<i32>} : memref<200x64xf32, #tpu.memory_space<vmem>>, vector<1x16xf32>,
        %mul3A_591 = arith.constant 8 : i32
        %mul3A_592 = arith.muli %scan3A_92, %mul3A_591 : i32
        %add3A_593 = arith.constant 6 : i32
        %add3A_594 = arith.addi %mul3A_592, %add3A_593 : i32
        %get3A_595 = arith.index_cast %add3A_594 : i32 to index
        %get3A_596 = arith.constant 16 : index
        %get3A_597 = tpu.vector_load %arg6[%get3A_595, %get3A_596] {strides = array<i32>} : memref<200x128xf32, #tpu.memory_space<vmem>>, vector<1x16xf32>,
        %get3A_598 = vector.shape_cast %get3A_597 : vector<1x16xf32> to vector<16xf32>
        %mul3A_599 = arith.constant 8.000000e+00 : f32
        %mul3A_600 = vector.broadcast %mul3A_599 : f32 to vector<16xf32>
        %mul3A_601 = arith.mulf %get3A_598, %mul3A_600 : vector<16xf32>
        %mul3A_602 = arith.constant 8 : i32
        %mul3A_603 = arith.muli %scan3A_92, %mul3A_602 : i32
        %add3A_604 = arith.constant 6 : i32
        %add3A_605 = arith.addi %mul3A_603, %add3A_604 : i32
        %swap3A_606 = arith.index_cast %add3A_605 : i32 to index
        %swap3A_607 = arith.constant 16 : index
        %swap3A_608 = tpu.vector_load %arg8[%swap3A_606, %swap3A_607] {strides = array<i32>} : memref<200x64xf32, #tpu.memory_space<vmem>>, vector<1x16xf32>,
        %swap3A_609 = vector.shape_cast %swap3A_608 : vector<1x16xf32> to vector<16xf32>
        %swap3A_610 = vector.shape_cast %mul3A_601 : vector<16xf32> to vector<1x16xf32>
        tpu.vector_store %arg8[%swap3A_606, %swap3A_607], %swap3A_610 {strides = array<i32>} : memref<200x64xf32, #tpu.memory_space<vmem>>, vector<1x16xf32>,
        %mul3A_611 = arith.constant 8 : i32
        %mul3A_612 = arith.muli %scan3A_92, %mul3A_611 : i32
        %add3A_613 = arith.constant 6 : i32
        %add3A_614 = arith.addi %mul3A_612, %add3A_613 : i32
        %get3A_615 = arith.index_cast %add3A_614 : i32 to index
        %get3A_616 = arith.constant 32 : index
        %get3A_617 = tpu.vector_load %arg6[%get3A_615, %get3A_616] {strides = array<i32>} : memref<200x128xf32, #tpu.memory_space<vmem>>, vector<1x16xf32>,
        %get3A_618 = vector.shape_cast %get3A_617 : vector<1x16xf32> to vector<16xf32>
        %mul3A_619 = arith.constant 8.000000e+00 : f32
        %mul3A_620 = vector.broadcast %mul3A_619 : f32 to vector<16xf32>
        %mul3A_621 = arith.mulf %get3A_618, %mul3A_620 : vector<16xf32>
        %mul3A_622 = arith.constant 8 : i32
        %mul3A_623 = arith.muli %scan3A_92, %mul3A_622 : i32
        %add3A_624 = arith.constant 6 : i32
        %add3A_625 = arith.addi %mul3A_623, %add3A_624 : i32
        %swap3A_626 = arith.index_cast %add3A_625 : i32 to index
        %swap3A_627 = arith.constant 32 : index
        %swap3A_628 = tpu.vector_load %arg8[%swap3A_626, %swap3A_627] {strides = array<i32>} : memref<200x64xf32, #tpu.memory_space<vmem>>, vector<1x16xf32>,
        %swap3A_629 = vector.shape_cast %swap3A_628 : vector<1x16xf32> to vector<16xf32>
        %swap3A_630 = vector.shape_cast %mul3A_621 : vector<16xf32> to vector<1x16xf32>
        tpu.vector_store %arg8[%swap3A_626, %swap3A_627], %swap3A_630 {strides = array<i32>} : memref<200x64xf32, #tpu.memory_space<vmem>>, vector<1x16xf32>,
        %mul3A_631 = arith.constant 8 : i32
        %mul3A_632 = arith.muli %scan3A_92, %mul3A_631 : i32
        %add3A_633 = arith.constant 6 : i32
        %add3A_634 = arith.addi %mul3A_632, %add3A_633 : i32
        %get3A_635 = arith.index_cast %add3A_634 : i32 to index
        %get3A_636 = arith.constant 48 : index
        %get3A_637 = tpu.vector_load %arg6[%get3A_635, %get3A_636] {strides = array<i32>} : memref<200x128xf32, #tpu.memory_space<vmem>>, vector<1x16xf32>,
        %get3A_638 = vector.shape_cast %get3A_637 : vector<1x16xf32> to vector<16xf32>
        %mul3A_639 = arith.constant 8.000000e+00 : f32
        %mul3A_640 = vector.broadcast %mul3A_639 : f32 to vector<16xf32>
        %mul3A_641 = arith.mulf %get3A_638, %mul3A_640 : vector<16xf32>
        %mul3A_642 = arith.constant 8 : i32
        %mul3A_643 = arith.muli %scan3A_92, %mul3A_642 : i32
        %add3A_644 = arith.constant 6 : i32
        %add3A_645 = arith.addi %mul3A_643, %add3A_644 : i32
        %swap3A_646 = arith.index_cast %add3A_645 : i32 to index
        %swap3A_647 = arith.constant 48 : index
        %swap3A_648 = tpu.vector_load %arg8[%swap3A_646, %swap3A_647] {strides = array<i32>} : memref<200x64xf32, #tpu.memory_space<vmem>>, vector<1x16xf32>,
        %swap3A_649 = vector.shape_cast %swap3A_648 : vector<1x16xf32> to vector<16xf32>
        %swap3A_650 = vector.shape_cast %mul3A_641 : vector<16xf32> to vector<1x16xf32>
        tpu.vector_store %arg8[%swap3A_646, %swap3A_647], %swap3A_650 {strides = array<i32>} : memref<200x64xf32, #tpu.memory_space<vmem>>, vector<1x16xf32>,
        %mul3A_651 = arith.constant 8 : i32
        %mul3A_652 = arith.muli %scan3A_92, %mul3A_651 : i32
        %add3A_653 = arith.constant 7 : i32
        %add3A_654 = arith.addi %mul3A_652, %add3A_653 : i32
        %get3A_655 = arith.index_cast %add3A_654 : i32 to index
        %get3A_656 = arith.constant 0 : index
        %get3A_657 = tpu.vector_load %arg6[%get3A_655, %get3A_656] {strides = array<i32>} : memref<200x128xf32, #tpu.memory_space<vmem>>, vector<1x16xf32>,
        %get3A_658 = vector.shape_cast %get3A_657 : vector<1x16xf32> to vector<16xf32>
        %mul3A_659 = arith.constant 8.000000e+00 : f32
        %mul3A_660 = vector.broadcast %mul3A_659 : f32 to vector<16xf32>
        %mul3A_661 = arith.mulf %get3A_658, %mul3A_660 : vector<16xf32>
        %mul3A_662 = arith.constant 8 : i32
        %mul3A_663 = arith.muli %scan3A_92, %mul3A_662 : i32
        %add3A_664 = arith.constant 7 : i32
        %add3A_665 = arith.addi %mul3A_663, %add3A_664 : i32
        %swap3A_666 = arith.index_cast %add3A_665 : i32 to index
        %swap3A_667 = arith.constant 0 : index
        %swap3A_668 = tpu.vector_load %arg8[%swap3A_666, %swap3A_667] {strides = array<i32>} : memref<200x64xf32, #tpu.memory_space<vmem>>, vector<1x16xf32>,
        %swap3A_669 = vector.shape_cast %swap3A_668 : vector<1x16xf32> to vector<16xf32>
        %swap3A_670 = vector.shape_cast %mul3A_661 : vector<16xf32> to vector<1x16xf32>
        tpu.vector_store %arg8[%swap3A_666, %swap3A_667], %swap3A_670 {strides = array<i32>} : memref<200x64xf32, #tpu.memory_space<vmem>>, vector<1x16xf32>,
        %mul3A_671 = arith.constant 8 : i32
        %mul3A_672 = arith.muli %scan3A_92, %mul3A_671 : i32
        %add3A_673 = arith.constant 7 : i32
        %add3A_674 = arith.addi %mul3A_672, %add3A_673 : i32
        %get3A_675 = arith.index_cast %add3A_674 : i32 to index
        %get3A_676 = arith.constant 16 : index
        %get3A_677 = tpu.vector_load %arg6[%get3A_675, %get3A_676] {strides = array<i32>} : memref<200x128xf32, #tpu.memory_space<vmem>>, vector<1x16xf32>,
        %get3A_678 = vector.shape_cast %get3A_677 : vector<1x16xf32> to vector<16xf32>
        %mul3A_679 = arith.constant 8.000000e+00 : f32
        %mul3A_680 = vector.broadcast %mul3A_679 : f32 to vector<16xf32>
        %mul3A_681 = arith.mulf %get3A_678, %mul3A_680 : vector<16xf32>
        %mul3A_682 = arith.constant 8 : i32
        %mul3A_683 = arith.muli %scan3A_92, %mul3A_682 : i32
        %add3A_684 = arith.constant 7 : i32
        %add3A_685 = arith.addi %mul3A_683, %add3A_684 : i32
        %swap3A_686 = arith.index_cast %add3A_685 : i32 to index
        %swap3A_687 = arith.constant 16 : index
        %swap3A_688 = tpu.vector_load %arg8[%swap3A_686, %swap3A_687] {strides = array<i32>} : memref<200x64xf32, #tpu.memory_space<vmem>>, vector<1x16xf32>,
        %swap3A_689 = vector.shape_cast %swap3A_688 : vector<1x16xf32> to vector<16xf32>
        %swap3A_690 = vector.shape_cast %mul3A_681 : vector<16xf32> to vector<1x16xf32>
        tpu.vector_store %arg8[%swap3A_686, %swap3A_687], %swap3A_690 {strides = array<i32>} : memref<200x64xf32, #tpu.memory_space<vmem>>, vector<1x16xf32>,
        %mul3A_691 = arith.constant 8 : i32
        %mul3A_692 = arith.muli %scan3A_92, %mul3A_691 : i32
        %add3A_693 = arith.constant 7 : i32
        %add3A_694 = arith.addi %mul3A_692, %add3A_693 : i32
        %get3A_695 = arith.index_cast %add3A_694 : i32 to index
        %get3A_696 = arith.constant 32 : index
        %get3A_697 = tpu.vector_load %arg6[%get3A_695, %get3A_696] {strides = array<i32>} : memref<200x128xf32, #tpu.memory_space<vmem>>, vector<1x16xf32>,
        %get3A_698 = vector.shape_cast %get3A_697 : vector<1x16xf32> to vector<16xf32>
        %mul3A_699 = arith.constant 8.000000e+00 : f32
        %mul3A_700 = vector.broadcast %mul3A_699 : f32 to vector<16xf32>
        %mul3A_701 = arith.mulf %get3A_698, %mul3A_700 : vector<16xf32>
        %mul3A_702 = arith.constant 8 : i32
        %mul3A_703 = arith.muli %scan3A_92, %mul3A_702 : i32
        %add3A_704 = arith.constant 7 : i32
        %add3A_705 = arith.addi %mul3A_703, %add3A_704 : i32
        %swap3A_706 = arith.index_cast %add3A_705 : i32 to index
        %swap3A_707 = arith.constant 32 : index
        %swap3A_708 = tpu.vector_load %arg8[%swap3A_706, %swap3A_707] {strides = array<i32>} : memref<200x64xf32, #tpu.memory_space<vmem>>, vector<1x16xf32>,
        %swap3A_709 = vector.shape_cast %swap3A_708 : vector<1x16xf32> to vector<16xf32>
        %swap3A_710 = vector.shape_cast %mul3A_701 : vector<16xf32> to vector<1x16xf32>
        tpu.vector_store %arg8[%swap3A_706, %swap3A_707], %swap3A_710 {strides = array<i32>} : memref<200x64xf32, #tpu.memory_space<vmem>>, vector<1x16xf32>,
        %mul3A_711 = arith.constant 8 : i32
        %mul3A_712 = arith.muli %scan3A_92, %mul3A_711 : i32
        %add3A_713 = arith.constant 7 : i32
        %add3A_714 = arith.addi %mul3A_712, %add3A_713 : i32
        %get3A_715 = arith.index_cast %add3A_714 : i32 to index
        %get3A_716 = arith.constant 48 : index
        %get3A_717 = tpu.vector_load %arg6[%get3A_715, %get3A_716] {strides = array<i32>} : memref<200x128xf32, #tpu.memory_space<vmem>>, vector<1x16xf32>,
        %get3A_718 = vector.shape_cast %get3A_717 : vector<1x16xf32> to vector<16xf32>
        %mul3A_719 = arith.constant 8.000000e+00 : f32
        %mul3A_720 = vector.broadcast %mul3A_719 : f32 to vector<16xf32>
        %mul3A_721 = arith.mulf %get3A_718, %mul3A_720 : vector<16xf32>
        %mul3A_722 = arith.constant 8 : i32
        %mul3A_723 = arith.muli %scan3A_92, %mul3A_722 : i32
        %add3A_724 = arith.constant 7 : i32
        %add3A_725 = arith.addi %mul3A_723, %add3A_724 : i32
        %swap3A_726 = arith.index_cast %add3A_725 : i32 to index
        %swap3A_727 = arith.constant 48 : index
        %swap3A_728 = tpu.vector_load %arg8[%swap3A_726, %swap3A_727] {strides = array<i32>} : memref<200x64xf32, #tpu.memory_space<vmem>>, vector<1x16xf32>,
        %swap3A_729 = vector.shape_cast %swap3A_728 : vector<1x16xf32> to vector<16xf32>
        %swap3A_730 = vector.shape_cast %mul3A_721 : vector<16xf32> to vector<1x16xf32>
        tpu.vector_store %arg8[%swap3A_726, %swap3A_727], %swap3A_730 {strides = array<i32>} : memref<200x64xf32, #tpu.memory_space<vmem>>, vector<1x16xf32>,
      }
      %scan3A_49 = arith.constant 25 : i32
      %mul3A_50 = arith.constant 200 : i32
      %mul3A_51 = arith.muli %add3A_29, %mul3A_50 : i32
      %add3A_52 = arith.addi %mul3A_2, %mul3A_51 : i32
      %multiple_of3A_53 = tpu.assume_multiple %add3A_52, 8 : i32
      %dma_start3A_54 = arith.constant 0 : i32
      %dma_start3A_55 = tpu.memref_slice %arg4[%multiple_of3A_53, %dma_start3A_54] : memref<819200x64xf32, #tpu.memory_space<hbm>> -> memref<200x64xf32, #tpu.memory_space<hbm>>
      %dma_start3A_56 = arith.constant 0 : i32
      %dma_start3A_57 = tpu.memref_slice %arg4[%multiple_of3A_53, %dma_start3A_56] : memref<819200x64xf32, #tpu.memory_space<hbm>> -> memref<200x64xf32, #tpu.memory_space<hbm>>
      tpu.enqueue_dma source(%arg8 : memref<200x64xf32, #tpu.memory_space<vmem>>) target(%dma_start3A_57 : memref<200x64xf32, #tpu.memory_space<hbm>>) target_semaphore(%arg12 : memref<!tpu.dma_semaphore, #tpu.memory_space<semaphore_mem>>)
      %add3A_58 = arith.constant 1 : i32
      %add3A_59 = arith.addi %add3A_27, %add3A_58 : i32
      %add3A_60 = arith.constant 1 : i32
      %add3A_61 = arith.addi %add3A_59, %add3A_60 : i32
      %lt3A_62 = arith.constant 128 : i32
      %lt3A_63 = arith.cmpi slt, %add3A_61, %lt3A_62 : i32
      %convert_element_type3A_64 = arith.extui %lt3A_63 : i1 to i32
      %cond3A_65 = arith.constant 0 : i32
      %cond3A_66 = arith.cmpi ne, %convert_element_type3A_64, %cond3A_65 : i32
      scf.if %cond3A_66 {
        %add3A_92 = arith.constant 1 : i32
        %add3A_93 = arith.addi %add3A_59, %add3A_92 : i32
        %mul3A_94 = arith.constant 200 : i32
        %mul3A_95 = arith.muli %add3A_93, %mul3A_94 : i32
        %dma_start3A_96 = tpu.memref_slice %arg5[%mul3A_95] : memref<25600xi32, #tpu.memory_space<vmem>> -> memref<200xi32, #tpu.memory_space<vmem>>
        %dma_start3A_97 = arith.constant 0 : i32
        %dma_start3A_98 = arith.constant 0 : i32
        %dma_start3A_99 = tpu.memref_slice %arg3[%dma_start3A_97, %dma_start3A_98] : memref<1000000x128xf32, #tpu.memory_space<hbm>> -> memref<1000000x128xf32, #tpu.memory_space<hbm>>
        tpu.enqueue_indirect_dma source(%dma_start3A_99 : memref<1000000x128xf32, #tpu.memory_space<hbm>>) target(%arg6 : memref<200x128xf32, #tpu.memory_space<vmem>>) offsets(%dma_start3A_96 : memref<200xi32, #tpu.memory_space<vmem>>) semaphore(%arg10 : memref<!tpu.dma_semaphore, #tpu.memory_space<semaphore_mem>>)
      } else {
      }
      %mul3A_67 = arith.constant 200 : i32
      %mul3A_68 = arith.muli %add3A_59, %mul3A_67 : i32
      %dma_wait3A_69 = tpu.memref_slice %arg5[%mul3A_68] : memref<25600xi32, #tpu.memory_space<vmem>> -> memref<200xi32, #tpu.memory_space<vmem>>
      %dma_wait3A_70 = arith.constant 0 : i32
      %dma_wait3A_71 = arith.constant 0 : i32
      %dma_wait3A_72 = tpu.memref_slice %arg3[%dma_wait3A_70, %dma_wait3A_71] : memref<1000000x128xf32, #tpu.memory_space<hbm>> -> memref<1000000x128xf32, #tpu.memory_space<hbm>>
      tpu.wait_indirect_dma semaphore(%arg11 : memref<!tpu.dma_semaphore, #tpu.memory_space<semaphore_mem>>) src(%dma_wait3A_72 : memref<1000000x128xf32, #tpu.memory_space<hbm>>) dst(%arg7 : memref<200x128xf32, #tpu.memory_space<vmem>>)
      %ge3A_73 = arith.constant 2 : i32
      %ge3A_74 = arith.cmpi sge, %add3A_59, %ge3A_73 : i32
      %convert_element_type3A_75 = arith.extui %ge3A_74 : i1 to i32
      %cond3A_76 = arith.constant 0 : i32
      %cond3A_77 = arith.cmpi ne, %convert_element_type3A_75, %cond3A_76 : i32
      scf.if %cond3A_77 {
        %sub3A = arith.constant 2 : i32
        %sub3A_92 = arith.subi %add3A_59, %sub3A : i32
        %mul3A_93 = arith.constant 200 : i32
        %mul3A_94 = arith.muli %sub3A_92, %mul3A_93 : i32
        %add3A_95 = arith.addi %mul3A_2, %mul3A_94 : i32
        %multiple_of3A_96 = tpu.assume_multiple %add3A_95, 8 : i32
        %dma_wait3A_97 = arith.constant 0 : i32
        %dma_wait3A_98 = tpu.memref_slice %arg4[%multiple_of3A_96, %dma_wait3A_97] : memref<819200x64xf32, #tpu.memory_space<hbm>> -> memref<200x64xf32, #tpu.memory_space<hbm>>
        %dma_wait3A_99 = arith.constant 0 : i32
        %dma_wait3A_100 = tpu.memref_slice %arg4[%multiple_of3A_96, %dma_wait3A_99] : memref<819200x64xf32, #tpu.memory_space<hbm>> -> memref<200x64xf32, #tpu.memory_space<hbm>>
        tpu.wait_dma2 semaphore(%arg13 : memref<!tpu.dma_semaphore, #tpu.memory_space<semaphore_mem>>) src(%arg9 : memref<200x64xf32, #tpu.memory_space<vmem>>) dst(%dma_wait3A_100 : memref<200x64xf32, #tpu.memory_space<hbm>>)
      } else {
      }
      %scan3A_78 = arith.constant 0 : i32
      %scan3A_79 = arith.constant 0 : i32
      %scan3A_80 = arith.constant 25 : i32
      %scan3A_81 = arith.addi %scan3A_79, %scan3A_80 : i32
      %scan3A_82 = arith.constant 1 : i32
      scf.for %scan3A_92 = %scan3A_79 to %scan3A_81 step %scan3A_82  : i32 {
        %mul3A_93 = arith.constant 8 : i32
        %mul3A_94 = arith.muli %scan3A_92, %mul3A_93 : i32
        %add3A_95 = arith.constant 0 : i32
        %add3A_96 = arith.addi %mul3A_94, %add3A_95 : i32
        %get3A = arith.index_cast %add3A_96 : i32 to index
        %get3A_97 = arith.constant 0 : index
        %get3A_98 = tpu.vector_load %arg7[%get3A, %get3A_97] {strides = array<i32>} : memref<200x128xf32, #tpu.memory_space<vmem>>, vector<1x16xf32>,
        %get3A_99 = vector.shape_cast %get3A_98 : vector<1x16xf32> to vector<16xf32>
        %mul3A_100 = arith.constant 8.000000e+00 : f32
        %mul3A_101 = vector.broadcast %mul3A_100 : f32 to vector<16xf32>
        %mul3A_102 = arith.mulf %get3A_99, %mul3A_101 : vector<16xf32>
        %mul3A_103 = arith.constant 8 : i32
        %mul3A_104 = arith.muli %scan3A_92, %mul3A_103 : i32
        %add3A_105 = arith.constant 0 : i32
        %add3A_106 = arith.addi %mul3A_104, %add3A_105 : i32
        %swap3A = arith.index_cast %add3A_106 : i32 to index
        %swap3A_107 = arith.constant 0 : index
        %swap3A_108 = tpu.vector_load %arg9[%swap3A, %swap3A_107] {strides = array<i32>} : memref<200x64xf32, #tpu.memory_space<vmem>>, vector<1x16xf32>,
        %swap3A_109 = vector.shape_cast %swap3A_108 : vector<1x16xf32> to vector<16xf32>
        %swap3A_110 = vector.shape_cast %mul3A_102 : vector<16xf32> to vector<1x16xf32>
        tpu.vector_store %arg9[%swap3A, %swap3A_107], %swap3A_110 {strides = array<i32>} : memref<200x64xf32, #tpu.memory_space<vmem>>, vector<1x16xf32>,
        %mul3A_111 = arith.constant 8 : i32
        %mul3A_112 = arith.muli %scan3A_92, %mul3A_111 : i32
        %add3A_113 = arith.constant 0 : i32
        %add3A_114 = arith.addi %mul3A_112, %add3A_113 : i32
        %get3A_115 = arith.index_cast %add3A_114 : i32 to index
        %get3A_116 = arith.constant 16 : index
        %get3A_117 = tpu.vector_load %arg7[%get3A_115, %get3A_116] {strides = array<i32>} : memref<200x128xf32, #tpu.memory_space<vmem>>, vector<1x16xf32>,
        %get3A_118 = vector.shape_cast %get3A_117 : vector<1x16xf32> to vector<16xf32>
        %mul3A_119 = arith.constant 8.000000e+00 : f32
        %mul3A_120 = vector.broadcast %mul3A_119 : f32 to vector<16xf32>
        %mul3A_121 = arith.mulf %get3A_118, %mul3A_120 : vector<16xf32>
        %mul3A_122 = arith.constant 8 : i32
        %mul3A_123 = arith.muli %scan3A_92, %mul3A_122 : i32
        %add3A_124 = arith.constant 0 : i32
        %add3A_125 = arith.addi %mul3A_123, %add3A_124 : i32
        %swap3A_126 = arith.index_cast %add3A_125 : i32 to index
        %swap3A_127 = arith.constant 16 : index
        %swap3A_128 = tpu.vector_load %arg9[%swap3A_126, %swap3A_127] {strides = array<i32>} : memref<200x64xf32, #tpu.memory_space<vmem>>, vector<1x16xf32>,
        %swap3A_129 = vector.shape_cast %swap3A_128 : vector<1x16xf32> to vector<16xf32>
        %swap3A_130 = vector.shape_cast %mul3A_121 : vector<16xf32> to vector<1x16xf32>
        tpu.vector_store %arg9[%swap3A_126, %swap3A_127], %swap3A_130 {strides = array<i32>} : memref<200x64xf32, #tpu.memory_space<vmem>>, vector<1x16xf32>,
        %mul3A_131 = arith.constant 8 : i32
        %mul3A_132 = arith.muli %scan3A_92, %mul3A_131 : i32
        %add3A_133 = arith.constant 0 : i32
        %add3A_134 = arith.addi %mul3A_132, %add3A_133 : i32
        %get3A_135 = arith.index_cast %add3A_134 : i32 to index
        %get3A_136 = arith.constant 32 : index
        %get3A_137 = tpu.vector_load %arg7[%get3A_135, %get3A_136] {strides = array<i32>} : memref<200x128xf32, #tpu.memory_space<vmem>>, vector<1x16xf32>,
        %get3A_138 = vector.shape_cast %get3A_137 : vector<1x16xf32> to vector<16xf32>
        %mul3A_139 = arith.constant 8.000000e+00 : f32
        %mul3A_140 = vector.broadcast %mul3A_139 : f32 to vector<16xf32>
        %mul3A_141 = arith.mulf %get3A_138, %mul3A_140 : vector<16xf32>
        %mul3A_142 = arith.constant 8 : i32
        %mul3A_143 = arith.muli %scan3A_92, %mul3A_142 : i32
        %add3A_144 = arith.constant 0 : i32
        %add3A_145 = arith.addi %mul3A_143, %add3A_144 : i32
        %swap3A_146 = arith.index_cast %add3A_145 : i32 to index
        %swap3A_147 = arith.constant 32 : index
        %swap3A_148 = tpu.vector_load %arg9[%swap3A_146, %swap3A_147] {strides = array<i32>} : memref<200x64xf32, #tpu.memory_space<vmem>>, vector<1x16xf32>,
        %swap3A_149 = vector.shape_cast %swap3A_148 : vector<1x16xf32> to vector<16xf32>
        %swap3A_150 = vector.shape_cast %mul3A_141 : vector<16xf32> to vector<1x16xf32>
        tpu.vector_store %arg9[%swap3A_146, %swap3A_147], %swap3A_150 {strides = array<i32>} : memref<200x64xf32, #tpu.memory_space<vmem>>, vector<1x16xf32>,
        %mul3A_151 = arith.constant 8 : i32
        %mul3A_152 = arith.muli %scan3A_92, %mul3A_151 : i32
        %add3A_153 = arith.constant 0 : i32
        %add3A_154 = arith.addi %mul3A_152, %add3A_153 : i32
        %get3A_155 = arith.index_cast %add3A_154 : i32 to index
        %get3A_156 = arith.constant 48 : index
        %get3A_157 = tpu.vector_load %arg7[%get3A_155, %get3A_156] {strides = array<i32>} : memref<200x128xf32, #tpu.memory_space<vmem>>, vector<1x16xf32>,
        %get3A_158 = vector.shape_cast %get3A_157 : vector<1x16xf32> to vector<16xf32>
        %mul3A_159 = arith.constant 8.000000e+00 : f32
        %mul3A_160 = vector.broadcast %mul3A_159 : f32 to vector<16xf32>
        %mul3A_161 = arith.mulf %get3A_158, %mul3A_160 : vector<16xf32>
        %mul3A_162 = arith.constant 8 : i32
        %mul3A_163 = arith.muli %scan3A_92, %mul3A_162 : i32
        %add3A_164 = arith.constant 0 : i32
        %add3A_165 = arith.addi %mul3A_163, %add3A_164 : i32
        %swap3A_166 = arith.index_cast %add3A_165 : i32 to index
        %swap3A_167 = arith.constant 48 : index
        %swap3A_168 = tpu.vector_load %arg9[%swap3A_166, %swap3A_167] {strides = array<i32>} : memref<200x64xf32, #tpu.memory_space<vmem>>, vector<1x16xf32>,
        %swap3A_169 = vector.shape_cast %swap3A_168 : vector<1x16xf32> to vector<16xf32>
        %swap3A_170 = vector.shape_cast %mul3A_161 : vector<16xf32> to vector<1x16xf32>
        tpu.vector_store %arg9[%swap3A_166, %swap3A_167], %swap3A_170 {strides = array<i32>} : memref<200x64xf32, #tpu.memory_space<vmem>>, vector<1x16xf32>,
        %mul3A_171 = arith.constant 8 : i32
        %mul3A_172 = arith.muli %scan3A_92, %mul3A_171 : i32
        %add3A_173 = arith.constant 1 : i32
        %add3A_174 = arith.addi %mul3A_172, %add3A_173 : i32
        %get3A_175 = arith.index_cast %add3A_174 : i32 to index
        %get3A_176 = arith.constant 0 : index
        %get3A_177 = tpu.vector_load %arg7[%get3A_175, %get3A_176] {strides = array<i32>} : memref<200x128xf32, #tpu.memory_space<vmem>>, vector<1x16xf32>,
        %get3A_178 = vector.shape_cast %get3A_177 : vector<1x16xf32> to vector<16xf32>
        %mul3A_179 = arith.constant 8.000000e+00 : f32
        %mul3A_180 = vector.broadcast %mul3A_179 : f32 to vector<16xf32>
        %mul3A_181 = arith.mulf %get3A_178, %mul3A_180 : vector<16xf32>
        %mul3A_182 = arith.constant 8 : i32
        %mul3A_183 = arith.muli %scan3A_92, %mul3A_182 : i32
        %add3A_184 = arith.constant 1 : i32
        %add3A_185 = arith.addi %mul3A_183, %add3A_184 : i32
        %swap3A_186 = arith.index_cast %add3A_185 : i32 to index
        %swap3A_187 = arith.constant 0 : index
        %swap3A_188 = tpu.vector_load %arg9[%swap3A_186, %swap3A_187] {strides = array<i32>} : memref<200x64xf32, #tpu.memory_space<vmem>>, vector<1x16xf32>,
        %swap3A_189 = vector.shape_cast %swap3A_188 : vector<1x16xf32> to vector<16xf32>
        %swap3A_190 = vector.shape_cast %mul3A_181 : vector<16xf32> to vector<1x16xf32>
        tpu.vector_store %arg9[%swap3A_186, %swap3A_187], %swap3A_190 {strides = array<i32>} : memref<200x64xf32, #tpu.memory_space<vmem>>, vector<1x16xf32>,
        %mul3A_191 = arith.constant 8 : i32
        %mul3A_192 = arith.muli %scan3A_92, %mul3A_191 : i32
        %add3A_193 = arith.constant 1 : i32
        %add3A_194 = arith.addi %mul3A_192, %add3A_193 : i32
        %get3A_195 = arith.index_cast %add3A_194 : i32 to index
        %get3A_196 = arith.constant 16 : index
        %get3A_197 = tpu.vector_load %arg7[%get3A_195, %get3A_196] {strides = array<i32>} : memref<200x128xf32, #tpu.memory_space<vmem>>, vector<1x16xf32>,
        %get3A_198 = vector.shape_cast %get3A_197 : vector<1x16xf32> to vector<16xf32>
        %mul3A_199 = arith.constant 8.000000e+00 : f32
        %mul3A_200 = vector.broadcast %mul3A_199 : f32 to vector<16xf32>
        %mul3A_201 = arith.mulf %get3A_198, %mul3A_200 : vector<16xf32>
        %mul3A_202 = arith.constant 8 : i32
        %mul3A_203 = arith.muli %scan3A_92, %mul3A_202 : i32
        %add3A_204 = arith.constant 1 : i32
        %add3A_205 = arith.addi %mul3A_203, %add3A_204 : i32
        %swap3A_206 = arith.index_cast %add3A_205 : i32 to index
        %swap3A_207 = arith.constant 16 : index
        %swap3A_208 = tpu.vector_load %arg9[%swap3A_206, %swap3A_207] {strides = array<i32>} : memref<200x64xf32, #tpu.memory_space<vmem>>, vector<1x16xf32>,
        %swap3A_209 = vector.shape_cast %swap3A_208 : vector<1x16xf32> to vector<16xf32>
        %swap3A_210 = vector.shape_cast %mul3A_201 : vector<16xf32> to vector<1x16xf32>
        tpu.vector_store %arg9[%swap3A_206, %swap3A_207], %swap3A_210 {strides = array<i32>} : memref<200x64xf32, #tpu.memory_space<vmem>>, vector<1x16xf32>,
        %mul3A_211 = arith.constant 8 : i32
        %mul3A_212 = arith.muli %scan3A_92, %mul3A_211 : i32
        %add3A_213 = arith.constant 1 : i32
        %add3A_214 = arith.addi %mul3A_212, %add3A_213 : i32
        %get3A_215 = arith.index_cast %add3A_214 : i32 to index
        %get3A_216 = arith.constant 32 : index
        %get3A_217 = tpu.vector_load %arg7[%get3A_215, %get3A_216] {strides = array<i32>} : memref<200x128xf32, #tpu.memory_space<vmem>>, vector<1x16xf32>,
        %get3A_218 = vector.shape_cast %get3A_217 : vector<1x16xf32> to vector<16xf32>
        %mul3A_219 = arith.constant 8.000000e+00 : f32
        %mul3A_220 = vector.broadcast %mul3A_219 : f32 to vector<16xf32>
        %mul3A_221 = arith.mulf %get3A_218, %mul3A_220 : vector<16xf32>
        %mul3A_222 = arith.constant 8 : i32
        %mul3A_223 = arith.muli %scan3A_92, %mul3A_222 : i32
        %add3A_224 = arith.constant 1 : i32
        %add3A_225 = arith.addi %mul3A_223, %add3A_224 : i32
        %swap3A_226 = arith.index_cast %add3A_225 : i32 to index
        %swap3A_227 = arith.constant 32 : index
        %swap3A_228 = tpu.vector_load %arg9[%swap3A_226, %swap3A_227] {strides = array<i32>} : memref<200x64xf32, #tpu.memory_space<vmem>>, vector<1x16xf32>,
        %swap3A_229 = vector.shape_cast %swap3A_228 : vector<1x16xf32> to vector<16xf32>
        %swap3A_230 = vector.shape_cast %mul3A_221 : vector<16xf32> to vector<1x16xf32>
        tpu.vector_store %arg9[%swap3A_226, %swap3A_227], %swap3A_230 {strides = array<i32>} : memref<200x64xf32, #tpu.memory_space<vmem>>, vector<1x16xf32>,
        %mul3A_231 = arith.constant 8 : i32
        %mul3A_232 = arith.muli %scan3A_92, %mul3A_231 : i32
        %add3A_233 = arith.constant 1 : i32
        %add3A_234 = arith.addi %mul3A_232, %add3A_233 : i32
        %get3A_235 = arith.index_cast %add3A_234 : i32 to index
        %get3A_236 = arith.constant 48 : index
        %get3A_237 = tpu.vector_load %arg7[%get3A_235, %get3A_236] {strides = array<i32>} : memref<200x128xf32, #tpu.memory_space<vmem>>, vector<1x16xf32>,
        %get3A_238 = vector.shape_cast %get3A_237 : vector<1x16xf32> to vector<16xf32>
        %mul3A_239 = arith.constant 8.000000e+00 : f32
        %mul3A_240 = vector.broadcast %mul3A_239 : f32 to vector<16xf32>
        %mul3A_241 = arith.mulf %get3A_238, %mul3A_240 : vector<16xf32>
        %mul3A_242 = arith.constant 8 : i32
        %mul3A_243 = arith.muli %scan3A_92, %mul3A_242 : i32
        %add3A_244 = arith.constant 1 : i32
        %add3A_245 = arith.addi %mul3A_243, %add3A_244 : i32
        %swap3A_246 = arith.index_cast %add3A_245 : i32 to index
        %swap3A_247 = arith.constant 48 : index
        %swap3A_248 = tpu.vector_load %arg9[%swap3A_246, %swap3A_247] {strides = array<i32>} : memref<200x64xf32, #tpu.memory_space<vmem>>, vector<1x16xf32>,
        %swap3A_249 = vector.shape_cast %swap3A_248 : vector<1x16xf32> to vector<16xf32>
        %swap3A_250 = vector.shape_cast %mul3A_241 : vector<16xf32> to vector<1x16xf32>
        tpu.vector_store %arg9[%swap3A_246, %swap3A_247], %swap3A_250 {strides = array<i32>} : memref<200x64xf32, #tpu.memory_space<vmem>>, vector<1x16xf32>,
        %mul3A_251 = arith.constant 8 : i32
        %mul3A_252 = arith.muli %scan3A_92, %mul3A_251 : i32
        %add3A_253 = arith.constant 2 : i32
        %add3A_254 = arith.addi %mul3A_252, %add3A_253 : i32
        %get3A_255 = arith.index_cast %add3A_254 : i32 to index
        %get3A_256 = arith.constant 0 : index
        %get3A_257 = tpu.vector_load %arg7[%get3A_255, %get3A_256] {strides = array<i32>} : memref<200x128xf32, #tpu.memory_space<vmem>>, vector<1x16xf32>,
        %get3A_258 = vector.shape_cast %get3A_257 : vector<1x16xf32> to vector<16xf32>
        %mul3A_259 = arith.constant 8.000000e+00 : f32
        %mul3A_260 = vector.broadcast %mul3A_259 : f32 to vector<16xf32>
        %mul3A_261 = arith.mulf %get3A_258, %mul3A_260 : vector<16xf32>
        %mul3A_262 = arith.constant 8 : i32
        %mul3A_263 = arith.muli %scan3A_92, %mul3A_262 : i32
        %add3A_264 = arith.constant 2 : i32
        %add3A_265 = arith.addi %mul3A_263, %add3A_264 : i32
        %swap3A_266 = arith.index_cast %add3A_265 : i32 to index
        %swap3A_267 = arith.constant 0 : index
        %swap3A_268 = tpu.vector_load %arg9[%swap3A_266, %swap3A_267] {strides = array<i32>} : memref<200x64xf32, #tpu.memory_space<vmem>>, vector<1x16xf32>,
        %swap3A_269 = vector.shape_cast %swap3A_268 : vector<1x16xf32> to vector<16xf32>
        %swap3A_270 = vector.shape_cast %mul3A_261 : vector<16xf32> to vector<1x16xf32>
        tpu.vector_store %arg9[%swap3A_266, %swap3A_267], %swap3A_270 {strides = array<i32>} : memref<200x64xf32, #tpu.memory_space<vmem>>, vector<1x16xf32>,
        %mul3A_271 = arith.constant 8 : i32
        %mul3A_272 = arith.muli %scan3A_92, %mul3A_271 : i32
        %add3A_273 = arith.constant 2 : i32
        %add3A_274 = arith.addi %mul3A_272, %add3A_273 : i32
        %get3A_275 = arith.index_cast %add3A_274 : i32 to index
        %get3A_276 = arith.constant 16 : index
        %get3A_277 = tpu.vector_load %arg7[%get3A_275, %get3A_276] {strides = array<i32>} : memref<200x128xf32, #tpu.memory_space<vmem>>, vector<1x16xf32>,
        %get3A_278 = vector.shape_cast %get3A_277 : vector<1x16xf32> to vector<16xf32>
        %mul3A_279 = arith.constant 8.000000e+00 : f32
        %mul3A_280 = vector.broadcast %mul3A_279 : f32 to vector<16xf32>
        %mul3A_281 = arith.mulf %get3A_278, %mul3A_280 : vector<16xf32>
        %mul3A_282 = arith.constant 8 : i32
        %mul3A_283 = arith.muli %scan3A_92, %mul3A_282 : i32
        %add3A_284 = arith.constant 2 : i32
        %add3A_285 = arith.addi %mul3A_283, %add3A_284 : i32
        %swap3A_286 = arith.index_cast %add3A_285 : i32 to index
        %swap3A_287 = arith.constant 16 : index
        %swap3A_288 = tpu.vector_load %arg9[%swap3A_286, %swap3A_287] {strides = array<i32>} : memref<200x64xf32, #tpu.memory_space<vmem>>, vector<1x16xf32>,
        %swap3A_289 = vector.shape_cast %swap3A_288 : vector<1x16xf32> to vector<16xf32>
        %swap3A_290 = vector.shape_cast %mul3A_281 : vector<16xf32> to vector<1x16xf32>
        tpu.vector_store %arg9[%swap3A_286, %swap3A_287], %swap3A_290 {strides = array<i32>} : memref<200x64xf32, #tpu.memory_space<vmem>>, vector<1x16xf32>,
        %mul3A_291 = arith.constant 8 : i32
        %mul3A_292 = arith.muli %scan3A_92, %mul3A_291 : i32
        %add3A_293 = arith.constant 2 : i32
        %add3A_294 = arith.addi %mul3A_292, %add3A_293 : i32
        %get3A_295 = arith.index_cast %add3A_294 : i32 to index
        %get3A_296 = arith.constant 32 : index
        %get3A_297 = tpu.vector_load %arg7[%get3A_295, %get3A_296] {strides = array<i32>} : memref<200x128xf32, #tpu.memory_space<vmem>>, vector<1x16xf32>,
        %get3A_298 = vector.shape_cast %get3A_297 : vector<1x16xf32> to vector<16xf32>
        %mul3A_299 = arith.constant 8.000000e+00 : f32
        %mul3A_300 = vector.broadcast %mul3A_299 : f32 to vector<16xf32>
        %mul3A_301 = arith.mulf %get3A_298, %mul3A_300 : vector<16xf32>
        %mul3A_302 = arith.constant 8 : i32
        %mul3A_303 = arith.muli %scan3A_92, %mul3A_302 : i32
        %add3A_304 = arith.constant 2 : i32
        %add3A_305 = arith.addi %mul3A_303, %add3A_304 : i32
        %swap3A_306 = arith.index_cast %add3A_305 : i32 to index
        %swap3A_307 = arith.constant 32 : index
        %swap3A_308 = tpu.vector_load %arg9[%swap3A_306, %swap3A_307] {strides = array<i32>} : memref<200x64xf32, #tpu.memory_space<vmem>>, vector<1x16xf32>,
        %swap3A_309 = vector.shape_cast %swap3A_308 : vector<1x16xf32> to vector<16xf32>
        %swap3A_310 = vector.shape_cast %mul3A_301 : vector<16xf32> to vector<1x16xf32>
        tpu.vector_store %arg9[%swap3A_306, %swap3A_307], %swap3A_310 {strides = array<i32>} : memref<200x64xf32, #tpu.memory_space<vmem>>, vector<1x16xf32>,
        %mul3A_311 = arith.constant 8 : i32
        %mul3A_312 = arith.muli %scan3A_92, %mul3A_311 : i32
        %add3A_313 = arith.constant 2 : i32
        %add3A_314 = arith.addi %mul3A_312, %add3A_313 : i32
        %get3A_315 = arith.index_cast %add3A_314 : i32 to index
        %get3A_316 = arith.constant 48 : index
        %get3A_317 = tpu.vector_load %arg7[%get3A_315, %get3A_316] {strides = array<i32>} : memref<200x128xf32, #tpu.memory_space<vmem>>, vector<1x16xf32>,
        %get3A_318 = vector.shape_cast %get3A_317 : vector<1x16xf32> to vector<16xf32>
        %mul3A_319 = arith.constant 8.000000e+00 : f32
        %mul3A_320 = vector.broadcast %mul3A_319 : f32 to vector<16xf32>
        %mul3A_321 = arith.mulf %get3A_318, %mul3A_320 : vector<16xf32>
        %mul3A_322 = arith.constant 8 : i32
        %mul3A_323 = arith.muli %scan3A_92, %mul3A_322 : i32
        %add3A_324 = arith.constant 2 : i32
        %add3A_325 = arith.addi %mul3A_323, %add3A_324 : i32
        %swap3A_326 = arith.index_cast %add3A_325 : i32 to index
        %swap3A_327 = arith.constant 48 : index
        %swap3A_328 = tpu.vector_load %arg9[%swap3A_326, %swap3A_327] {strides = array<i32>} : memref<200x64xf32, #tpu.memory_space<vmem>>, vector<1x16xf32>,
        %swap3A_329 = vector.shape_cast %swap3A_328 : vector<1x16xf32> to vector<16xf32>
        %swap3A_330 = vector.shape_cast %mul3A_321 : vector<16xf32> to vector<1x16xf32>
        tpu.vector_store %arg9[%swap3A_326, %swap3A_327], %swap3A_330 {strides = array<i32>} : memref<200x64xf32, #tpu.memory_space<vmem>>, vector<1x16xf32>,
        %mul3A_331 = arith.constant 8 : i32
        %mul3A_332 = arith.muli %scan3A_92, %mul3A_331 : i32
        %add3A_333 = arith.constant 3 : i32
        %add3A_334 = arith.addi %mul3A_332, %add3A_333 : i32
        %get3A_335 = arith.index_cast %add3A_334 : i32 to index
        %get3A_336 = arith.constant 0 : index
        %get3A_337 = tpu.vector_load %arg7[%get3A_335, %get3A_336] {strides = array<i32>} : memref<200x128xf32, #tpu.memory_space<vmem>>, vector<1x16xf32>,
        %get3A_338 = vector.shape_cast %get3A_337 : vector<1x16xf32> to vector<16xf32>
        %mul3A_339 = arith.constant 8.000000e+00 : f32
        %mul3A_340 = vector.broadcast %mul3A_339 : f32 to vector<16xf32>
        %mul3A_341 = arith.mulf %get3A_338, %mul3A_340 : vector<16xf32>
        %mul3A_342 = arith.constant 8 : i32
        %mul3A_343 = arith.muli %scan3A_92, %mul3A_342 : i32
        %add3A_344 = arith.constant 3 : i32
        %add3A_345 = arith.addi %mul3A_343, %add3A_344 : i32
        %swap3A_346 = arith.index_cast %add3A_345 : i32 to index
        %swap3A_347 = arith.constant 0 : index
        %swap3A_348 = tpu.vector_load %arg9[%swap3A_346, %swap3A_347] {strides = array<i32>} : memref<200x64xf32, #tpu.memory_space<vmem>>, vector<1x16xf32>,
        %swap3A_349 = vector.shape_cast %swap3A_348 : vector<1x16xf32> to vector<16xf32>
        %swap3A_350 = vector.shape_cast %mul3A_341 : vector<16xf32> to vector<1x16xf32>
        tpu.vector_store %arg9[%swap3A_346, %swap3A_347], %swap3A_350 {strides = array<i32>} : memref<200x64xf32, #tpu.memory_space<vmem>>, vector<1x16xf32>,
        %mul3A_351 = arith.constant 8 : i32
        %mul3A_352 = arith.muli %scan3A_92, %mul3A_351 : i32
        %add3A_353 = arith.constant 3 : i32
        %add3A_354 = arith.addi %mul3A_352, %add3A_353 : i32
        %get3A_355 = arith.index_cast %add3A_354 : i32 to index
        %get3A_356 = arith.constant 16 : index
        %get3A_357 = tpu.vector_load %arg7[%get3A_355, %get3A_356] {strides = array<i32>} : memref<200x128xf32, #tpu.memory_space<vmem>>, vector<1x16xf32>,
        %get3A_358 = vector.shape_cast %get3A_357 : vector<1x16xf32> to vector<16xf32>
        %mul3A_359 = arith.constant 8.000000e+00 : f32
        %mul3A_360 = vector.broadcast %mul3A_359 : f32 to vector<16xf32>
        %mul3A_361 = arith.mulf %get3A_358, %mul3A_360 : vector<16xf32>
        %mul3A_362 = arith.constant 8 : i32
        %mul3A_363 = arith.muli %scan3A_92, %mul3A_362 : i32
        %add3A_364 = arith.constant 3 : i32
        %add3A_365 = arith.addi %mul3A_363, %add3A_364 : i32
        %swap3A_366 = arith.index_cast %add3A_365 : i32 to index
        %swap3A_367 = arith.constant 16 : index
        %swap3A_368 = tpu.vector_load %arg9[%swap3A_366, %swap3A_367] {strides = array<i32>} : memref<200x64xf32, #tpu.memory_space<vmem>>, vector<1x16xf32>,
        %swap3A_369 = vector.shape_cast %swap3A_368 : vector<1x16xf32> to vector<16xf32>
        %swap3A_370 = vector.shape_cast %mul3A_361 : vector<16xf32> to vector<1x16xf32>
        tpu.vector_store %arg9[%swap3A_366, %swap3A_367], %swap3A_370 {strides = array<i32>} : memref<200x64xf32, #tpu.memory_space<vmem>>, vector<1x16xf32>,
        %mul3A_371 = arith.constant 8 : i32
        %mul3A_372 = arith.muli %scan3A_92, %mul3A_371 : i32
        %add3A_373 = arith.constant 3 : i32
        %add3A_374 = arith.addi %mul3A_372, %add3A_373 : i32
        %get3A_375 = arith.index_cast %add3A_374 : i32 to index
        %get3A_376 = arith.constant 32 : index
        %get3A_377 = tpu.vector_load %arg7[%get3A_375, %get3A_376] {strides = array<i32>} : memref<200x128xf32, #tpu.memory_space<vmem>>, vector<1x16xf32>,
        %get3A_378 = vector.shape_cast %get3A_377 : vector<1x16xf32> to vector<16xf32>
        %mul3A_379 = arith.constant 8.000000e+00 : f32
        %mul3A_380 = vector.broadcast %mul3A_379 : f32 to vector<16xf32>
        %mul3A_381 = arith.mulf %get3A_378, %mul3A_380 : vector<16xf32>
        %mul3A_382 = arith.constant 8 : i32
        %mul3A_383 = arith.muli %scan3A_92, %mul3A_382 : i32
        %add3A_384 = arith.constant 3 : i32
        %add3A_385 = arith.addi %mul3A_383, %add3A_384 : i32
        %swap3A_386 = arith.index_cast %add3A_385 : i32 to index
        %swap3A_387 = arith.constant 32 : index
        %swap3A_388 = tpu.vector_load %arg9[%swap3A_386, %swap3A_387] {strides = array<i32>} : memref<200x64xf32, #tpu.memory_space<vmem>>, vector<1x16xf32>,
        %swap3A_389 = vector.shape_cast %swap3A_388 : vector<1x16xf32> to vector<16xf32>
        %swap3A_390 = vector.shape_cast %mul3A_381 : vector<16xf32> to vector<1x16xf32>
        tpu.vector_store %arg9[%swap3A_386, %swap3A_387], %swap3A_390 {strides = array<i32>} : memref<200x64xf32, #tpu.memory_space<vmem>>, vector<1x16xf32>,
        %mul3A_391 = arith.constant 8 : i32
        %mul3A_392 = arith.muli %scan3A_92, %mul3A_391 : i32
        %add3A_393 = arith.constant 3 : i32
        %add3A_394 = arith.addi %mul3A_392, %add3A_393 : i32
        %get3A_395 = arith.index_cast %add3A_394 : i32 to index
        %get3A_396 = arith.constant 48 : index
        %get3A_397 = tpu.vector_load %arg7[%get3A_395, %get3A_396] {strides = array<i32>} : memref<200x128xf32, #tpu.memory_space<vmem>>, vector<1x16xf32>,
        %get3A_398 = vector.shape_cast %get3A_397 : vector<1x16xf32> to vector<16xf32>
        %mul3A_399 = arith.constant 8.000000e+00 : f32
        %mul3A_400 = vector.broadcast %mul3A_399 : f32 to vector<16xf32>
        %mul3A_401 = arith.mulf %get3A_398, %mul3A_400 : vector<16xf32>
        %mul3A_402 = arith.constant 8 : i32
        %mul3A_403 = arith.muli %scan3A_92, %mul3A_402 : i32
        %add3A_404 = arith.constant 3 : i32
        %add3A_405 = arith.addi %mul3A_403, %add3A_404 : i32
        %swap3A_406 = arith.index_cast %add3A_405 : i32 to index
        %swap3A_407 = arith.constant 48 : index
        %swap3A_408 = tpu.vector_load %arg9[%swap3A_406, %swap3A_407] {strides = array<i32>} : memref<200x64xf32, #tpu.memory_space<vmem>>, vector<1x16xf32>,
        %swap3A_409 = vector.shape_cast %swap3A_408 : vector<1x16xf32> to vector<16xf32>
        %swap3A_410 = vector.shape_cast %mul3A_401 : vector<16xf32> to vector<1x16xf32>
        tpu.vector_store %arg9[%swap3A_406, %swap3A_407], %swap3A_410 {strides = array<i32>} : memref<200x64xf32, #tpu.memory_space<vmem>>, vector<1x16xf32>,
        %mul3A_411 = arith.constant 8 : i32
        %mul3A_412 = arith.muli %scan3A_92, %mul3A_411 : i32
        %add3A_413 = arith.constant 4 : i32
        %add3A_414 = arith.addi %mul3A_412, %add3A_413 : i32
        %get3A_415 = arith.index_cast %add3A_414 : i32 to index
        %get3A_416 = arith.constant 0 : index
        %get3A_417 = tpu.vector_load %arg7[%get3A_415, %get3A_416] {strides = array<i32>} : memref<200x128xf32, #tpu.memory_space<vmem>>, vector<1x16xf32>,
        %get3A_418 = vector.shape_cast %get3A_417 : vector<1x16xf32> to vector<16xf32>
        %mul3A_419 = arith.constant 8.000000e+00 : f32
        %mul3A_420 = vector.broadcast %mul3A_419 : f32 to vector<16xf32>
        %mul3A_421 = arith.mulf %get3A_418, %mul3A_420 : vector<16xf32>
        %mul3A_422 = arith.constant 8 : i32
        %mul3A_423 = arith.muli %scan3A_92, %mul3A_422 : i32
        %add3A_424 = arith.constant 4 : i32
        %add3A_425 = arith.addi %mul3A_423, %add3A_424 : i32
        %swap3A_426 = arith.index_cast %add3A_425 : i32 to index
        %swap3A_427 = arith.constant 0 : index
        %swap3A_428 = tpu.vector_load %arg9[%swap3A_426, %swap3A_427] {strides = array<i32>} : memref<200x64xf32, #tpu.memory_space<vmem>>, vector<1x16xf32>,
        %swap3A_429 = vector.shape_cast %swap3A_428 : vector<1x16xf32> to vector<16xf32>
        %swap3A_430 = vector.shape_cast %mul3A_421 : vector<16xf32> to vector<1x16xf32>
        tpu.vector_store %arg9[%swap3A_426, %swap3A_427], %swap3A_430 {strides = array<i32>} : memref<200x64xf32, #tpu.memory_space<vmem>>, vector<1x16xf32>,
        %mul3A_431 = arith.constant 8 : i32
        %mul3A_432 = arith.muli %scan3A_92, %mul3A_431 : i32
        %add3A_433 = arith.constant 4 : i32
        %add3A_434 = arith.addi %mul3A_432, %add3A_433 : i32
        %get3A_435 = arith.index_cast %add3A_434 : i32 to index
        %get3A_436 = arith.constant 16 : index
        %get3A_437 = tpu.vector_load %arg7[%get3A_435, %get3A_436] {strides = array<i32>} : memref<200x128xf32, #tpu.memory_space<vmem>>, vector<1x16xf32>,
        %get3A_438 = vector.shape_cast %get3A_437 : vector<1x16xf32> to vector<16xf32>
        %mul3A_439 = arith.constant 8.000000e+00 : f32
        %mul3A_440 = vector.broadcast %mul3A_439 : f32 to vector<16xf32>
        %mul3A_441 = arith.mulf %get3A_438, %mul3A_440 : vector<16xf32>
        %mul3A_442 = arith.constant 8 : i32
        %mul3A_443 = arith.muli %scan3A_92, %mul3A_442 : i32
        %add3A_444 = arith.constant 4 : i32
        %add3A_445 = arith.addi %mul3A_443, %add3A_444 : i32
        %swap3A_446 = arith.index_cast %add3A_445 : i32 to index
        %swap3A_447 = arith.constant 16 : index
        %swap3A_448 = tpu.vector_load %arg9[%swap3A_446, %swap3A_447] {strides = array<i32>} : memref<200x64xf32, #tpu.memory_space<vmem>>, vector<1x16xf32>,
        %swap3A_449 = vector.shape_cast %swap3A_448 : vector<1x16xf32> to vector<16xf32>
        %swap3A_450 = vector.shape_cast %mul3A_441 : vector<16xf32> to vector<1x16xf32>
        tpu.vector_store %arg9[%swap3A_446, %swap3A_447], %swap3A_450 {strides = array<i32>} : memref<200x64xf32, #tpu.memory_space<vmem>>, vector<1x16xf32>,
        %mul3A_451 = arith.constant 8 : i32
        %mul3A_452 = arith.muli %scan3A_92, %mul3A_451 : i32
        %add3A_453 = arith.constant 4 : i32
        %add3A_454 = arith.addi %mul3A_452, %add3A_453 : i32
        %get3A_455 = arith.index_cast %add3A_454 : i32 to index
        %get3A_456 = arith.constant 32 : index
        %get3A_457 = tpu.vector_load %arg7[%get3A_455, %get3A_456] {strides = array<i32>} : memref<200x128xf32, #tpu.memory_space<vmem>>, vector<1x16xf32>,
        %get3A_458 = vector.shape_cast %get3A_457 : vector<1x16xf32> to vector<16xf32>
        %mul3A_459 = arith.constant 8.000000e+00 : f32
        %mul3A_460 = vector.broadcast %mul3A_459 : f32 to vector<16xf32>
        %mul3A_461 = arith.mulf %get3A_458, %mul3A_460 : vector<16xf32>
        %mul3A_462 = arith.constant 8 : i32
        %mul3A_463 = arith.muli %scan3A_92, %mul3A_462 : i32
        %add3A_464 = arith.constant 4 : i32
        %add3A_465 = arith.addi %mul3A_463, %add3A_464 : i32
        %swap3A_466 = arith.index_cast %add3A_465 : i32 to index
        %swap3A_467 = arith.constant 32 : index
        %swap3A_468 = tpu.vector_load %arg9[%swap3A_466, %swap3A_467] {strides = array<i32>} : memref<200x64xf32, #tpu.memory_space<vmem>>, vector<1x16xf32>,
        %swap3A_469 = vector.shape_cast %swap3A_468 : vector<1x16xf32> to vector<16xf32>
        %swap3A_470 = vector.shape_cast %mul3A_461 : vector<16xf32> to vector<1x16xf32>
        tpu.vector_store %arg9[%swap3A_466, %swap3A_467], %swap3A_470 {strides = array<i32>} : memref<200x64xf32, #tpu.memory_space<vmem>>, vector<1x16xf32>,
        %mul3A_471 = arith.constant 8 : i32
        %mul3A_472 = arith.muli %scan3A_92, %mul3A_471 : i32
        %add3A_473 = arith.constant 4 : i32
        %add3A_474 = arith.addi %mul3A_472, %add3A_473 : i32
        %get3A_475 = arith.index_cast %add3A_474 : i32 to index
        %get3A_476 = arith.constant 48 : index
        %get3A_477 = tpu.vector_load %arg7[%get3A_475, %get3A_476] {strides = array<i32>} : memref<200x128xf32, #tpu.memory_space<vmem>>, vector<1x16xf32>,
        %get3A_478 = vector.shape_cast %get3A_477 : vector<1x16xf32> to vector<16xf32>
        %mul3A_479 = arith.constant 8.000000e+00 : f32
        %mul3A_480 = vector.broadcast %mul3A_479 : f32 to vector<16xf32>
        %mul3A_481 = arith.mulf %get3A_478, %mul3A_480 : vector<16xf32>
        %mul3A_482 = arith.constant 8 : i32
        %mul3A_483 = arith.muli %scan3A_92, %mul3A_482 : i32
        %add3A_484 = arith.constant 4 : i32
        %add3A_485 = arith.addi %mul3A_483, %add3A_484 : i32
        %swap3A_486 = arith.index_cast %add3A_485 : i32 to index
        %swap3A_487 = arith.constant 48 : index
        %swap3A_488 = tpu.vector_load %arg9[%swap3A_486, %swap3A_487] {strides = array<i32>} : memref<200x64xf32, #tpu.memory_space<vmem>>, vector<1x16xf32>,
        %swap3A_489 = vector.shape_cast %swap3A_488 : vector<1x16xf32> to vector<16xf32>
        %swap3A_490 = vector.shape_cast %mul3A_481 : vector<16xf32> to vector<1x16xf32>
        tpu.vector_store %arg9[%swap3A_486, %swap3A_487], %swap3A_490 {strides = array<i32>} : memref<200x64xf32, #tpu.memory_space<vmem>>, vector<1x16xf32>,
        %mul3A_491 = arith.constant 8 : i32
        %mul3A_492 = arith.muli %scan3A_92, %mul3A_491 : i32
        %add3A_493 = arith.constant 5 : i32
        %add3A_494 = arith.addi %mul3A_492, %add3A_493 : i32
        %get3A_495 = arith.index_cast %add3A_494 : i32 to index
        %get3A_496 = arith.constant 0 : index
        %get3A_497 = tpu.vector_load %arg7[%get3A_495, %get3A_496] {strides = array<i32>} : memref<200x128xf32, #tpu.memory_space<vmem>>, vector<1x16xf32>,
        %get3A_498 = vector.shape_cast %get3A_497 : vector<1x16xf32> to vector<16xf32>
        %mul3A_499 = arith.constant 8.000000e+00 : f32
        %mul3A_500 = vector.broadcast %mul3A_499 : f32 to vector<16xf32>
        %mul3A_501 = arith.mulf %get3A_498, %mul3A_500 : vector<16xf32>
        %mul3A_502 = arith.constant 8 : i32
        %mul3A_503 = arith.muli %scan3A_92, %mul3A_502 : i32
        %add3A_504 = arith.constant 5 : i32
        %add3A_505 = arith.addi %mul3A_503, %add3A_504 : i32
        %swap3A_506 = arith.index_cast %add3A_505 : i32 to index
        %swap3A_507 = arith.constant 0 : index
        %swap3A_508 = tpu.vector_load %arg9[%swap3A_506, %swap3A_507] {strides = array<i32>} : memref<200x64xf32, #tpu.memory_space<vmem>>, vector<1x16xf32>,
        %swap3A_509 = vector.shape_cast %swap3A_508 : vector<1x16xf32> to vector<16xf32>
        %swap3A_510 = vector.shape_cast %mul3A_501 : vector<16xf32> to vector<1x16xf32>
        tpu.vector_store %arg9[%swap3A_506, %swap3A_507], %swap3A_510 {strides = array<i32>} : memref<200x64xf32, #tpu.memory_space<vmem>>, vector<1x16xf32>,
        %mul3A_511 = arith.constant 8 : i32
        %mul3A_512 = arith.muli %scan3A_92, %mul3A_511 : i32
        %add3A_513 = arith.constant 5 : i32
        %add3A_514 = arith.addi %mul3A_512, %add3A_513 : i32
        %get3A_515 = arith.index_cast %add3A_514 : i32 to index
        %get3A_516 = arith.constant 16 : index
        %get3A_517 = tpu.vector_load %arg7[%get3A_515, %get3A_516] {strides = array<i32>} : memref<200x128xf32, #tpu.memory_space<vmem>>, vector<1x16xf32>,
        %get3A_518 = vector.shape_cast %get3A_517 : vector<1x16xf32> to vector<16xf32>
        %mul3A_519 = arith.constant 8.000000e+00 : f32
        %mul3A_520 = vector.broadcast %mul3A_519 : f32 to vector<16xf32>
        %mul3A_521 = arith.mulf %get3A_518, %mul3A_520 : vector<16xf32>
        %mul3A_522 = arith.constant 8 : i32
        %mul3A_523 = arith.muli %scan3A_92, %mul3A_522 : i32
        %add3A_524 = arith.constant 5 : i32
        %add3A_525 = arith.addi %mul3A_523, %add3A_524 : i32
        %swap3A_526 = arith.index_cast %add3A_525 : i32 to index
        %swap3A_527 = arith.constant 16 : index
        %swap3A_528 = tpu.vector_load %arg9[%swap3A_526, %swap3A_527] {strides = array<i32>} : memref<200x64xf32, #tpu.memory_space<vmem>>, vector<1x16xf32>,
        %swap3A_529 = vector.shape_cast %swap3A_528 : vector<1x16xf32> to vector<16xf32>
        %swap3A_530 = vector.shape_cast %mul3A_521 : vector<16xf32> to vector<1x16xf32>
        tpu.vector_store %arg9[%swap3A_526, %swap3A_527], %swap3A_530 {strides = array<i32>} : memref<200x64xf32, #tpu.memory_space<vmem>>, vector<1x16xf32>,
        %mul3A_531 = arith.constant 8 : i32
        %mul3A_532 = arith.muli %scan3A_92, %mul3A_531 : i32
        %add3A_533 = arith.constant 5 : i32
        %add3A_534 = arith.addi %mul3A_532, %add3A_533 : i32
        %get3A_535 = arith.index_cast %add3A_534 : i32 to index
        %get3A_536 = arith.constant 32 : index
        %get3A_537 = tpu.vector_load %arg7[%get3A_535, %get3A_536] {strides = array<i32>} : memref<200x128xf32, #tpu.memory_space<vmem>>, vector<1x16xf32>,
        %get3A_538 = vector.shape_cast %get3A_537 : vector<1x16xf32> to vector<16xf32>
        %mul3A_539 = arith.constant 8.000000e+00 : f32
        %mul3A_540 = vector.broadcast %mul3A_539 : f32 to vector<16xf32>
        %mul3A_541 = arith.mulf %get3A_538, %mul3A_540 : vector<16xf32>
        %mul3A_542 = arith.constant 8 : i32
        %mul3A_543 = arith.muli %scan3A_92, %mul3A_542 : i32
        %add3A_544 = arith.constant 5 : i32
        %add3A_545 = arith.addi %mul3A_543, %add3A_544 : i32
        %swap3A_546 = arith.index_cast %add3A_545 : i32 to index
        %swap3A_547 = arith.constant 32 : index
        %swap3A_548 = tpu.vector_load %arg9[%swap3A_546, %swap3A_547] {strides = array<i32>} : memref<200x64xf32, #tpu.memory_space<vmem>>, vector<1x16xf32>,
        %swap3A_549 = vector.shape_cast %swap3A_548 : vector<1x16xf32> to vector<16xf32>
        %swap3A_550 = vector.shape_cast %mul3A_541 : vector<16xf32> to vector<1x16xf32>
        tpu.vector_store %arg9[%swap3A_546, %swap3A_547], %swap3A_550 {strides = array<i32>} : memref<200x64xf32, #tpu.memory_space<vmem>>, vector<1x16xf32>,
        %mul3A_551 = arith.constant 8 : i32
        %mul3A_552 = arith.muli %scan3A_92, %mul3A_551 : i32
        %add3A_553 = arith.constant 5 : i32
        %add3A_554 = arith.addi %mul3A_552, %add3A_553 : i32
        %get3A_555 = arith.index_cast %add3A_554 : i32 to index
        %get3A_556 = arith.constant 48 : index
        %get3A_557 = tpu.vector_load %arg7[%get3A_555, %get3A_556] {strides = array<i32>} : memref<200x128xf32, #tpu.memory_space<vmem>>, vector<1x16xf32>,
        %get3A_558 = vector.shape_cast %get3A_557 : vector<1x16xf32> to vector<16xf32>
        %mul3A_559 = arith.constant 8.000000e+00 : f32
        %mul3A_560 = vector.broadcast %mul3A_559 : f32 to vector<16xf32>
        %mul3A_561 = arith.mulf %get3A_558, %mul3A_560 : vector<16xf32>
        %mul3A_562 = arith.constant 8 : i32
        %mul3A_563 = arith.muli %scan3A_92, %mul3A_562 : i32
        %add3A_564 = arith.constant 5 : i32
        %add3A_565 = arith.addi %mul3A_563, %add3A_564 : i32
        %swap3A_566 = arith.index_cast %add3A_565 : i32 to index
        %swap3A_567 = arith.constant 48 : index
        %swap3A_568 = tpu.vector_load %arg9[%swap3A_566, %swap3A_567] {strides = array<i32>} : memref<200x64xf32, #tpu.memory_space<vmem>>, vector<1x16xf32>,
        %swap3A_569 = vector.shape_cast %swap3A_568 : vector<1x16xf32> to vector<16xf32>
        %swap3A_570 = vector.shape_cast %mul3A_561 : vector<16xf32> to vector<1x16xf32>
        tpu.vector_store %arg9[%swap3A_566, %swap3A_567], %swap3A_570 {strides = array<i32>} : memref<200x64xf32, #tpu.memory_space<vmem>>, vector<1x16xf32>,
        %mul3A_571 = arith.constant 8 : i32
        %mul3A_572 = arith.muli %scan3A_92, %mul3A_571 : i32
        %add3A_573 = arith.constant 6 : i32
        %add3A_574 = arith.addi %mul3A_572, %add3A_573 : i32
        %get3A_575 = arith.index_cast %add3A_574 : i32 to index
        %get3A_576 = arith.constant 0 : index
        %get3A_577 = tpu.vector_load %arg7[%get3A_575, %get3A_576] {strides = array<i32>} : memref<200x128xf32, #tpu.memory_space<vmem>>, vector<1x16xf32>,
        %get3A_578 = vector.shape_cast %get3A_577 : vector<1x16xf32> to vector<16xf32>
        %mul3A_579 = arith.constant 8.000000e+00 : f32
        %mul3A_580 = vector.broadcast %mul3A_579 : f32 to vector<16xf32>
        %mul3A_581 = arith.mulf %get3A_578, %mul3A_580 : vector<16xf32>
        %mul3A_582 = arith.constant 8 : i32
        %mul3A_583 = arith.muli %scan3A_92, %mul3A_582 : i32
        %add3A_584 = arith.constant 6 : i32
        %add3A_585 = arith.addi %mul3A_583, %add3A_584 : i32
        %swap3A_586 = arith.index_cast %add3A_585 : i32 to index
        %swap3A_587 = arith.constant 0 : index
        %swap3A_588 = tpu.vector_load %arg9[%swap3A_586, %swap3A_587] {strides = array<i32>} : memref<200x64xf32, #tpu.memory_space<vmem>>, vector<1x16xf32>,
        %swap3A_589 = vector.shape_cast %swap3A_588 : vector<1x16xf32> to vector<16xf32>
        %swap3A_590 = vector.shape_cast %mul3A_581 : vector<16xf32> to vector<1x16xf32>
        tpu.vector_store %arg9[%swap3A_586, %swap3A_587], %swap3A_590 {strides = array<i32>} : memref<200x64xf32, #tpu.memory_space<vmem>>, vector<1x16xf32>,
        %mul3A_591 = arith.constant 8 : i32
        %mul3A_592 = arith.muli %scan3A_92, %mul3A_591 : i32
        %add3A_593 = arith.constant 6 : i32
        %add3A_594 = arith.addi %mul3A_592, %add3A_593 : i32
        %get3A_595 = arith.index_cast %add3A_594 : i32 to index
        %get3A_596 = arith.constant 16 : index
        %get3A_597 = tpu.vector_load %arg7[%get3A_595, %get3A_596] {strides = array<i32>} : memref<200x128xf32, #tpu.memory_space<vmem>>, vector<1x16xf32>,
        %get3A_598 = vector.shape_cast %get3A_597 : vector<1x16xf32> to vector<16xf32>
        %mul3A_599 = arith.constant 8.000000e+00 : f32
        %mul3A_600 = vector.broadcast %mul3A_599 : f32 to vector<16xf32>
        %mul3A_601 = arith.mulf %get3A_598, %mul3A_600 : vector<16xf32>
        %mul3A_602 = arith.constant 8 : i32
        %mul3A_603 = arith.muli %scan3A_92, %mul3A_602 : i32
        %add3A_604 = arith.constant 6 : i32
        %add3A_605 = arith.addi %mul3A_603, %add3A_604 : i32
        %swap3A_606 = arith.index_cast %add3A_605 : i32 to index
        %swap3A_607 = arith.constant 16 : index
        %swap3A_608 = tpu.vector_load %arg9[%swap3A_606, %swap3A_607] {strides = array<i32>} : memref<200x64xf32, #tpu.memory_space<vmem>>, vector<1x16xf32>,
        %swap3A_609 = vector.shape_cast %swap3A_608 : vector<1x16xf32> to vector<16xf32>
        %swap3A_610 = vector.shape_cast %mul3A_601 : vector<16xf32> to vector<1x16xf32>
        tpu.vector_store %arg9[%swap3A_606, %swap3A_607], %swap3A_610 {strides = array<i32>} : memref<200x64xf32, #tpu.memory_space<vmem>>, vector<1x16xf32>,
        %mul3A_611 = arith.constant 8 : i32
        %mul3A_612 = arith.muli %scan3A_92, %mul3A_611 : i32
        %add3A_613 = arith.constant 6 : i32
        %add3A_614 = arith.addi %mul3A_612, %add3A_613 : i32
        %get3A_615 = arith.index_cast %add3A_614 : i32 to index
        %get3A_616 = arith.constant 32 : index
        %get3A_617 = tpu.vector_load %arg7[%get3A_615, %get3A_616] {strides = array<i32>} : memref<200x128xf32, #tpu.memory_space<vmem>>, vector<1x16xf32>,
        %get3A_618 = vector.shape_cast %get3A_617 : vector<1x16xf32> to vector<16xf32>
        %mul3A_619 = arith.constant 8.000000e+00 : f32
        %mul3A_620 = vector.broadcast %mul3A_619 : f32 to vector<16xf32>
        %mul3A_621 = arith.mulf %get3A_618, %mul3A_620 : vector<16xf32>
        %mul3A_622 = arith.constant 8 : i32
        %mul3A_623 = arith.muli %scan3A_92, %mul3A_622 : i32
        %add3A_624 = arith.constant 6 : i32
        %add3A_625 = arith.addi %mul3A_623, %add3A_624 : i32
        %swap3A_626 = arith.index_cast %add3A_625 : i32 to index
        %swap3A_627 = arith.constant 32 : index
        %swap3A_628 = tpu.vector_load %arg9[%swap3A_626, %swap3A_627] {strides = array<i32>} : memref<200x64xf32, #tpu.memory_space<vmem>>, vector<1x16xf32>,
        %swap3A_629 = vector.shape_cast %swap3A_628 : vector<1x16xf32> to vector<16xf32>
        %swap3A_630 = vector.shape_cast %mul3A_621 : vector<16xf32> to vector<1x16xf32>
        tpu.vector_store %arg9[%swap3A_626, %swap3A_627], %swap3A_630 {strides = array<i32>} : memref<200x64xf32, #tpu.memory_space<vmem>>, vector<1x16xf32>,
        %mul3A_631 = arith.constant 8 : i32
        %mul3A_632 = arith.muli %scan3A_92, %mul3A_631 : i32
        %add3A_633 = arith.constant 6 : i32
        %add3A_634 = arith.addi %mul3A_632, %add3A_633 : i32
        %get3A_635 = arith.index_cast %add3A_634 : i32 to index
        %get3A_636 = arith.constant 48 : index
        %get3A_637 = tpu.vector_load %arg7[%get3A_635, %get3A_636] {strides = array<i32>} : memref<200x128xf32, #tpu.memory_space<vmem>>, vector<1x16xf32>,
        %get3A_638 = vector.shape_cast %get3A_637 : vector<1x16xf32> to vector<16xf32>
        %mul3A_639 = arith.constant 8.000000e+00 : f32
        %mul3A_640 = vector.broadcast %mul3A_639 : f32 to vector<16xf32>
        %mul3A_641 = arith.mulf %get3A_638, %mul3A_640 : vector<16xf32>
        %mul3A_642 = arith.constant 8 : i32
        %mul3A_643 = arith.muli %scan3A_92, %mul3A_642 : i32
        %add3A_644 = arith.constant 6 : i32
        %add3A_645 = arith.addi %mul3A_643, %add3A_644 : i32
        %swap3A_646 = arith.index_cast %add3A_645 : i32 to index
        %swap3A_647 = arith.constant 48 : index
        %swap3A_648 = tpu.vector_load %arg9[%swap3A_646, %swap3A_647] {strides = array<i32>} : memref<200x64xf32, #tpu.memory_space<vmem>>, vector<1x16xf32>,
        %swap3A_649 = vector.shape_cast %swap3A_648 : vector<1x16xf32> to vector<16xf32>
        %swap3A_650 = vector.shape_cast %mul3A_641 : vector<16xf32> to vector<1x16xf32>
        tpu.vector_store %arg9[%swap3A_646, %swap3A_647], %swap3A_650 {strides = array<i32>} : memref<200x64xf32, #tpu.memory_space<vmem>>, vector<1x16xf32>,
        %mul3A_651 = arith.constant 8 : i32
        %mul3A_652 = arith.muli %scan3A_92, %mul3A_651 : i32
        %add3A_653 = arith.constant 7 : i32
        %add3A_654 = arith.addi %mul3A_652, %add3A_653 : i32
        %get3A_655 = arith.index_cast %add3A_654 : i32 to index
        %get3A_656 = arith.constant 0 : index
        %get3A_657 = tpu.vector_load %arg7[%get3A_655, %get3A_656] {strides = array<i32>} : memref<200x128xf32, #tpu.memory_space<vmem>>, vector<1x16xf32>,
        %get3A_658 = vector.shape_cast %get3A_657 : vector<1x16xf32> to vector<16xf32>
        %mul3A_659 = arith.constant 8.000000e+00 : f32
        %mul3A_660 = vector.broadcast %mul3A_659 : f32 to vector<16xf32>
        %mul3A_661 = arith.mulf %get3A_658, %mul3A_660 : vector<16xf32>
        %mul3A_662 = arith.constant 8 : i32
        %mul3A_663 = arith.muli %scan3A_92, %mul3A_662 : i32
        %add3A_664 = arith.constant 7 : i32
        %add3A_665 = arith.addi %mul3A_663, %add3A_664 : i32
        %swap3A_666 = arith.index_cast %add3A_665 : i32 to index
        %swap3A_667 = arith.constant 0 : index
        %swap3A_668 = tpu.vector_load %arg9[%swap3A_666, %swap3A_667] {strides = array<i32>} : memref<200x64xf32, #tpu.memory_space<vmem>>, vector<1x16xf32>,
        %swap3A_669 = vector.shape_cast %swap3A_668 : vector<1x16xf32> to vector<16xf32>
        %swap3A_670 = vector.shape_cast %mul3A_661 : vector<16xf32> to vector<1x16xf32>
        tpu.vector_store %arg9[%swap3A_666, %swap3A_667], %swap3A_670 {strides = array<i32>} : memref<200x64xf32, #tpu.memory_space<vmem>>, vector<1x16xf32>,
        %mul3A_671 = arith.constant 8 : i32
        %mul3A_672 = arith.muli %scan3A_92, %mul3A_671 : i32
        %add3A_673 = arith.constant 7 : i32
        %add3A_674 = arith.addi %mul3A_672, %add3A_673 : i32
        %get3A_675 = arith.index_cast %add3A_674 : i32 to index
        %get3A_676 = arith.constant 16 : index
        %get3A_677 = tpu.vector_load %arg7[%get3A_675, %get3A_676] {strides = array<i32>} : memref<200x128xf32, #tpu.memory_space<vmem>>, vector<1x16xf32>,
        %get3A_678 = vector.shape_cast %get3A_677 : vector<1x16xf32> to vector<16xf32>
        %mul3A_679 = arith.constant 8.000000e+00 : f32
        %mul3A_680 = vector.broadcast %mul3A_679 : f32 to vector<16xf32>
        %mul3A_681 = arith.mulf %get3A_678, %mul3A_680 : vector<16xf32>
        %mul3A_682 = arith.constant 8 : i32
        %mul3A_683 = arith.muli %scan3A_92, %mul3A_682 : i32
        %add3A_684 = arith.constant 7 : i32
        %add3A_685 = arith.addi %mul3A_683, %add3A_684 : i32
        %swap3A_686 = arith.index_cast %add3A_685 : i32 to index
        %swap3A_687 = arith.constant 16 : index
        %swap3A_688 = tpu.vector_load %arg9[%swap3A_686, %swap3A_687] {strides = array<i32>} : memref<200x64xf32, #tpu.memory_space<vmem>>, vector<1x16xf32>,
        %swap3A_689 = vector.shape_cast %swap3A_688 : vector<1x16xf32> to vector<16xf32>
        %swap3A_690 = vector.shape_cast %mul3A_681 : vector<16xf32> to vector<1x16xf32>
        tpu.vector_store %arg9[%swap3A_686, %swap3A_687], %swap3A_690 {strides = array<i32>} : memref<200x64xf32, #tpu.memory_space<vmem>>, vector<1x16xf32>,
        %mul3A_691 = arith.constant 8 : i32
        %mul3A_692 = arith.muli %scan3A_92, %mul3A_691 : i32
        %add3A_693 = arith.constant 7 : i32
        %add3A_694 = arith.addi %mul3A_692, %add3A_693 : i32
        %get3A_695 = arith.index_cast %add3A_694 : i32 to index
        %get3A_696 = arith.constant 32 : index
        %get3A_697 = tpu.vector_load %arg7[%get3A_695, %get3A_696] {strides = array<i32>} : memref<200x128xf32, #tpu.memory_space<vmem>>, vector<1x16xf32>,
        %get3A_698 = vector.shape_cast %get3A_697 : vector<1x16xf32> to vector<16xf32>
        %mul3A_699 = arith.constant 8.000000e+00 : f32
        %mul3A_700 = vector.broadcast %mul3A_699 : f32 to vector<16xf32>
        %mul3A_701 = arith.mulf %get3A_698, %mul3A_700 : vector<16xf32>
        %mul3A_702 = arith.constant 8 : i32
        %mul3A_703 = arith.muli %scan3A_92, %mul3A_702 : i32
        %add3A_704 = arith.constant 7 : i32
        %add3A_705 = arith.addi %mul3A_703, %add3A_704 : i32
        %swap3A_706 = arith.index_cast %add3A_705 : i32 to index
        %swap3A_707 = arith.constant 32 : index
        %swap3A_708 = tpu.vector_load %arg9[%swap3A_706, %swap3A_707] {strides = array<i32>} : memref<200x64xf32, #tpu.memory_space<vmem>>, vector<1x16xf32>,
        %swap3A_709 = vector.shape_cast %swap3A_708 : vector<1x16xf32> to vector<16xf32>
        %swap3A_710 = vector.shape_cast %mul3A_701 : vector<16xf32> to vector<1x16xf32>
        tpu.vector_store %arg9[%swap3A_706, %swap3A_707], %swap3A_710 {strides = array<i32>} : memref<200x64xf32, #tpu.memory_space<vmem>>, vector<1x16xf32>,
        %mul3A_711 = arith.constant 8 : i32
        %mul3A_712 = arith.muli %scan3A_92, %mul3A_711 : i32
        %add3A_713 = arith.constant 7 : i32
        %add3A_714 = arith.addi %mul3A_712, %add3A_713 : i32
        %get3A_715 = arith.index_cast %add3A_714 : i32 to index
        %get3A_716 = arith.constant 48 : index
        %get3A_717 = tpu.vector_load %arg7[%get3A_715, %get3A_716] {strides = array<i32>} : memref<200x128xf32, #tpu.memory_space<vmem>>, vector<1x16xf32>,
        %get3A_718 = vector.shape_cast %get3A_717 : vector<1x16xf32> to vector<16xf32>
        %mul3A_719 = arith.constant 8.000000e+00 : f32
        %mul3A_720 = vector.broadcast %mul3A_719 : f32 to vector<16xf32>
        %mul3A_721 = arith.mulf %get3A_718, %mul3A_720 : vector<16xf32>
        %mul3A_722 = arith.constant 8 : i32
        %mul3A_723 = arith.muli %scan3A_92, %mul3A_722 : i32
        %add3A_724 = arith.constant 7 : i32
        %add3A_725 = arith.addi %mul3A_723, %add3A_724 : i32
        %swap3A_726 = arith.index_cast %add3A_725 : i32 to index
        %swap3A_727 = arith.constant 48 : index
        %swap3A_728 = tpu.vector_load %arg9[%swap3A_726, %swap3A_727] {strides = array<i32>} : memref<200x64xf32, #tpu.memory_space<vmem>>, vector<1x16xf32>,
        %swap3A_729 = vector.shape_cast %swap3A_728 : vector<1x16xf32> to vector<16xf32>
        %swap3A_730 = vector.shape_cast %mul3A_721 : vector<16xf32> to vector<1x16xf32>
        tpu.vector_store %arg9[%swap3A_726, %swap3A_727], %swap3A_730 {strides = array<i32>} : memref<200x64xf32, #tpu.memory_space<vmem>>, vector<1x16xf32>,
      }
      %scan3A_83 = arith.constant 25 : i32
      %mul3A_84 = arith.constant 200 : i32
      %mul3A_85 = arith.muli %add3A_59, %mul3A_84 : i32
      %add3A_86 = arith.addi %mul3A_2, %mul3A_85 : i32
      %multiple_of3A_87 = tpu.assume_multiple %add3A_86, 8 : i32
      %dma_start3A_88 = arith.constant 0 : i32
      %dma_start3A_89 = tpu.memref_slice %arg4[%multiple_of3A_87, %dma_start3A_88] : memref<819200x64xf32, #tpu.memory_space<hbm>> -> memref<200x64xf32, #tpu.memory_space<hbm>>
      %dma_start3A_90 = arith.constant 0 : i32
      %dma_start3A_91 = tpu.memref_slice %arg4[%multiple_of3A_87, %dma_start3A_90] : memref<819200x64xf32, #tpu.memory_space<hbm>> -> memref<200x64xf32, #tpu.memory_space<hbm>>
      tpu.enqueue_dma source(%arg9 : memref<200x64xf32, #tpu.memory_space<vmem>>) target(%dma_start3A_91 : memref<200x64xf32, #tpu.memory_space<hbm>>) target_semaphore(%arg13 : memref<!tpu.dma_semaphore, #tpu.memory_space<semaphore_mem>>)
    }
    %scan3A_10 = arith.constant 64 : i32
    %add3A_11 = arith.constant 25200 : i32
    %add3A_12 = arith.addi %mul3A_2, %add3A_11 : i32
    %multiple_of3A = tpu.assume_multiple %add3A_12, 8 : i32
    %dma_wait3A = arith.constant 0 : i32
    %dma_wait3A_13 = tpu.memref_slice %arg4[%multiple_of3A, %dma_wait3A] : memref<819200x64xf32, #tpu.memory_space<hbm>> -> memref<200x64xf32, #tpu.memory_space<hbm>>
    %dma_wait3A_14 = arith.constant 0 : i32
    %dma_wait3A_15 = tpu.memref_slice %arg4[%multiple_of3A, %dma_wait3A_14] : memref<819200x64xf32, #tpu.memory_space<hbm>> -> memref<200x64xf32, #tpu.memory_space<hbm>>
    tpu.wait_dma2 semaphore(%arg12 : memref<!tpu.dma_semaphore, #tpu.memory_space<semaphore_mem>>) src(%arg8 : memref<200x64xf32, #tpu.memory_space<vmem>>) dst(%dma_wait3A_15 : memref<200x64xf32, #tpu.memory_space<hbm>>)
    %add3A_16 = arith.constant 25400 : i32
    %add3A_17 = arith.addi %mul3A_2, %add3A_16 : i32
    %multiple_of3A_18 = tpu.assume_multiple %add3A_17, 8 : i32
    %dma_wait3A_19 = arith.constant 0 : i32
    %dma_wait3A_20 = tpu.memref_slice %arg4[%multiple_of3A_18, %dma_wait3A_19] : memref<819200x64xf32, #tpu.memory_space<hbm>> -> memref<200x64xf32, #tpu.memory_space<hbm>>
    %dma_wait3A_21 = arith.constant 0 : i32
    %dma_wait3A_22 = tpu.memref_slice %arg4[%multiple_of3A_18, %dma_wait3A_21] : memref<819200x64xf32, #tpu.memory_space<hbm>> -> memref<200x64xf32, #tpu.memory_space<hbm>>
    tpu.wait_dma2 semaphore(%arg13 : memref<!tpu.dma_semaphore, #tpu.memory_space<semaphore_mem>>) src(%arg9 : memref<200x64xf32, #tpu.memory_space<vmem>>) dst(%dma_wait3A_22 : memref<200x64xf32, #tpu.memory_space<hbm>>)
    return
  }
}

</mosaic_0001>

<sc_bundles>
// kernel: kernel.3.cloned.1.call-start
scs
__scs_entry_jumppad:
0x0: {  	(pc) =	sbr.rel $0x88, $3  }
0x1: {  	(tag) =	ssettag $0x0;
	lr =	simm.s32 $0x1  }
0x2: {  	[smem:$0x3F9F] =	sst lr;
	_ =	strace $0xD0000000  }
0x3: {  	_ = 	snop  }
0x4: {  	_ = 	snop  }
0x5: {  	_ = 	snop  }
0x6: {  	_ = 	snop  }
0x7: {  	_ = 	snop  }
__scs_overlays_trampoline_lowered:
0x8: {  	[smem:$0x3FAE] =	sst s0  }
0x9: {  	[smem:$0x3FAF] =	sst s1  }
0xa: {  	[smem:$0x3FB0] =	sst s2  }
0xb: {  	[smem:$0x3FB1] =	sst s3  }
0xc: {  	[smem:$0x3FB2] =	sst s4  }
0xd: {  	[smem:$0x3FB3] =	sst s5  }
0xe: {  	[smem:$0x3FB4] =	sst s6  }
0xf: {  	[smem:$0x3FB5] =	sst s7  }
0x10: {  	[smem:$0x3FB6] =	sst s8  }
0x11: {  	[smem:$0x3FB7] =	sst s9;
	s0 =	simm.s32 @!p0 $0x0  }
0x12: {  	s1 =	sld [smem:$0x3F9D];
	s0 =	simm.s32 @p0 $0x1  }
0x13: {  	[smem:$0x3FB8] =	sst s0;
	s0 =	simm.s32 @!p1 $0x0  }
0x14: {  	s2 =	sld [smem:$0x3F9C];
	s0 =	simm.s32 @p1 $0x1  }
0x15: {  	[smem:$0x3FB9] =	sst s0;
	s0 =	simm.s32 @!p2 $0x0  }
0x16: {  	s3 =	sld [smem:$0x3FDB];
	s0 =	simm.s32 @p2 $0x1  }
0x17: {  	s4 =	simm.s32 $0x1BF5;
	[smem:$0x3FBB] =	sst s0  }
0x18: {  	s0 =	sld [smem:$0x3F9E];
	_ =	swait.ge [sflag:s4], $0x0  }
0x19: {  	s7 =	sld [smem:$0x3F9F]  }
0x1a: {  	s8 =	sadd.s32 $0xFFFFE003, lr  }
0x1b: {  	s9 =	sadd.s32 $0xFFFFFEF7, lr;
	s5 =	simm.s32 $0xFFFFFFFF;
	p2 =	slt.u32 s8, $0xFFFFF086  }
0x1c: {  	p1 =	slt.u32 s9, $0xF7A;
	s5 =	simm.s32 @!p2 $0x0  }
0x1d: {  	s5 =	simm.s32 @p1 $0x1;
	p0 =	seq.s32 s7, s2  }
0x1e: {  	s7 =	smul.u32 @!p0 $0xF7A, s2;
	p2 =	seq.s32 @!p0 s5, $0x0  }
0x1f: {  	s9 =	smul.u32 $0xF7A, s1;
	s8 =	simm.s32 @!p0 $0x1BF5;
	p2 =	por !p2, p0  }
0x20: {  	[sflag:s8] =	ssyncset.s32 @!p0 $0xFFFFF086;
	s6 =	sadd.s32 @!p0 s3, s7;
	s7 =	simm.s32 @!p0 $0x108  }
0x21: {  	s3 =	sadd.s32 s3, s9;
	s6 =	sadd.s32 @!p0 $0x88, s6;
	s7 =	simm.s32 @p2 $0x1082  }
0x22: {  	[simem:s7], [sflag:s8] =	dma.local @!p0 [hbm:s6], $0xF7A  }
0x23: {  	s9 =	sor.u32 $0xD0000000, s2;
	s6 =	simm.s32 $0x108;
	_ =	swait.ge @!p0 [sflag:s8], $0x0  }
0x24: {  	s3 =	sadd.s32 $0x88, s3;
	s6 =	simm.s32 @!p1 $0x1082;
	[sflag:s4] =	ssyncset.s32 $0xFFFFF086  }
0x25: {  	[simem:s6], [sflag:s4] =	dma.local [hbm:s3], $0xF7A  }
0x26: {  	[smem:$0x3F9F] =	sst s1;
	(tag) =	ssettag s2;
	_ =	strace s9  }
0x27: {  	s1 =	sld [smem:$0x3FAF]  }
0x28: {  	s2 =	sld [smem:$0x3FB0]  }
0x29: {  	s4 =	sld [smem:$0x3FB2]  }
0x2a: {  	p0 =	seq.s32 s5, $0x0;
	s5 =	sld [smem:$0x3FB3]  }
0x2b: {  	s6 =	sld [smem:$0x3FB4]  }
0x2c: {  	s7 =	sld [smem:$0x3FB5]  }
0x2d: {  	s3 =	simm.s32 $0x108;
	s8 =	sld [smem:$0x3FB6]  }
0x2e: {  	s3 =	simm.s32 @!p0 $0x1082;
	s9 =	sld [smem:$0x3FB7]  }
0x2f: {  	lr =	sadd.s32 s0, s3;
	s0 =	sld [smem:$0x3FAE]  }
0x30: {  	s3 =	sld [smem:$0x3FB1]  }
0x31: {  	[smem:$0x3FBA] =	sst s10  }
0x32: {  	s10 =	sld [smem:$0x3FB8];
	_ =	sdelay $0x3  }
0x33: {  	p0 =	seq.s32 s10, $0x1;
	s10 =	sld [smem:$0x3FBA];
	_ =	sdelay $0x3  }
0x34: {  	[smem:$0x3FBA] =	sst s10  }
0x35: {  	s10 =	sld [smem:$0x3FB9];
	_ =	sdelay $0x3  }
0x36: {  	p1 =	seq.s32 s10, $0x1;
	s10 =	sld [smem:$0x3FBA];
	_ =	sdelay $0x3  }
0x37: {  	[smem:$0x3FBA] =	sst s10  }
0x38: {  	s10 =	sld [smem:$0x3FBB]  }
0x39: {  	_ = 	snop;
	(pc) =	sbr.ind lr, $3  }
0x3a: {  	_ = 	snop  }
0x3b: {  	_ = 	snop  }
0x3c: {  	p2 =	seq.s32 s10, $0x1;
	s10 =	sld [smem:$0x3FBA]  }
0x3d: {  	_ =	shalt  }
0x3e: {  	_ =	shalt  }
0x3f: {  	_ =	shalt  }
0x40: {  	_ =	shalt  }
0x41: {  	_ =	shalt  }
0x42: {  	_ =	shalt  }
0x43: {  	_ =	shalt  }
0x44: {  	_ =	shalt  }
0x45: {  	_ =	shalt  }
0x46: {  	_ =	shalt  }
0x47: {  	_ =	shalt  }
0x48: {  	_ =	shalt  }
0x49: {  	_ =	shalt  }
0x4a: {  	_ =	shalt  }
0x4b: {  	_ =	shalt  }
0x4c: {  	_ =	shalt  }
0x4d: {  	_ =	shalt  }
0x4e: {  	_ =	shalt  }
0x4f: {  	_ =	shalt  }
0x50: {  	_ =	shalt  }
0x51: {  	_ =	shalt  }
0x52: {  	_ =	shalt  }
0x53: {  	_ =	shalt  }
0x54: {  	_ =	shalt  }
0x55: {  	_ =	shalt  }
0x56: {  	_ =	shalt  }
0x57: {  	_ =	shalt  }
0x58: {  	_ =	shalt  }
0x59: {  	_ =	shalt  }
0x5a: {  	_ =	shalt  }
0x5b: {  	_ =	shalt  }
0x5c: {  	_ =	shalt  }
0x5d: {  	_ =	shalt  }
0x5e: {  	_ =	shalt  }
0x5f: {  	_ =	shalt  }
0x60: {  	_ =	shalt  }
0x61: {  	_ =	shalt  }
0x62: {  	_ =	shalt  }
0x63: {  	_ =	shalt  }
0x64: {  	_ =	shalt  }
0x65: {  	_ =	shalt  }
0x66: {  	_ =	shalt  }
0x67: {  	_ =	shalt  }
0x68: {  	_ =	shalt  }
0x69: {  	_ =	shalt  }
0x6a: {  	_ =	shalt  }
0x6b: {  	_ =	shalt  }
0x6c: {  	_ =	shalt  }
0x6d: {  	_ =	shalt  }
0x6e: {  	_ =	shalt  }
0x6f: {  	_ =	shalt  }
0x70: {  	_ =	shalt  }
0x71: {  	_ =	shalt  }
0x72: {  	_ =	shalt  }
0x73: {  	_ =	shalt  }
0x74: {  	_ =	shalt  }
0x75: {  	_ =	shalt  }
0x76: {  	_ =	shalt  }
0x77: {  	_ =	shalt  }
0x78: {  	_ =	shalt  }
0x79: {  	_ =	shalt  }
0x7a: {  	_ =	shalt  }
0x7b: {  	_ =	shalt  }
0x7c: {  	_ =	shalt  }
0x7d: {  	_ =	shalt  }
0x7e: {  	_ =	shalt  }
0x7f: {  	_ =	shalt  }
0x80: {  	_ =	shalt  }
0x81: {  	_ =	shalt  }
0x82: {  	_ =	shalt  }
0x83: {  	_ =	shalt  }
0x84: {  	_ =	shalt  }
0x85: {  	_ =	shalt  }
0x86: {  	_ =	shalt  }
0x87: {  	_ =	shalt  }
.Lfunc_end0:
.L_simem_size_0:
called_computation.1_lowered:
.L_overlay_start_0:
0x88: {  	s2 =	sld [smem:$0x3FD9]  }
0x89: {  	s3 =	sld [smem:$0x3FFE];
	_ =	sdelay $0x1  }
0x8a: {  	s1 =	srdreg.scid  }
0x8b: {  	s0 =	sand.u32 $0x1, s1  }
0x8c: {  	s17 =	sshll.u32 s0, $0xA;
	s2 =	sadd.s32 s3, s2  }
0x8d: {  	s2 =	sadd.s32 s2, s17  }
0x8e: {  	[smem:$0x3FC6] =	sst s2  }
0x8f: {  	_ = 	snop  }
0x90: {  	s2 =	sld [smem:$0x3FD0];
	(tm) =	ssettm $0x1  }
0x91: {  	s18 =	sld [smem:$0x3FFB];
	_ =	sdelay $0x3  }
0x92: {  	_ =	strace s18  }
0x93: {  	s3 =	sld [smem:$0x3FFC];
	_ =	sdelay $0x3  }
0x94: {  	_ =	strace s3  }
0x95: {  	s3 =	sld [smem:$0x3FFD];
	_ =	sdelay $0x3  }
0x96: {  	_ =	strace s3  }
0x97: {  	_ =	strace $0x8FFFFFFF  }
0x98: {  	s19 =	sld [smem:$0x3FDB];
	_ =	sdelay $0x1  }
0x99: {  	s4 =	simm.s32 $_scs_section_size  }
0x9a: {  	s5 =	simm.s32 $_size__tile_overlayer_lowered;
	s6 =	simm.s32 $_tile_overlayer_lowered  }
0x9b: {  	s22 =	simm.s32 $0x1BFF;
	s21 =	sshll.u32 s6, $0x1;
	s3 =	sadd.s32 s4, s19  }
0x9c: {  	s7 =	simm.s32 $0x0;
	s20 =	sshll.u32 s5, $0x1;
	s5 =	sadd.s32 s21, s3  }
0x9d: {  	[timem:s7], [sflag:s22] =	dma.local [hbm:s5], s20  }
0x9e: {  	_ =	swait.ge [sflag:s22], s20  }
0x9f: {  	s4 =	ssub.s32 $0x0, s20;
	[sflag:s22] =	ssyncset.done $0x0  }
0xa0: {  	[sflag:s22] =	ssyncadd.s32 s4;
	_ =	sdelay $0x1  }
0xa1: {  	s23 =	simm.s32 $0x1B8B  }
0xa2: {  	_ =	swait.ge [sflag:s23], $0x1  }
0xa3: {  	[sflag:s23] =	ssyncset.done $0x0  }
0xa4: {  	s25 =	simm.s32 $0x1B8E;
	s24 =	sld [smem:$0x3FFE];
	[sflag:s23] =	ssyncadd.s32 $0xFFFFFFFF  }
0xa5: {  	s26 =	simm.s32 $execute0_lowered;
	[smem:$0x3FD2] =	sst s25  }
0xa6: {  	s5 =	sshll.u32 s26, $0x1;
	_ =	strace $0x80000046;
	[dreg:$0x1] =	wrdreg $0xFFFFFFFF  }
0xa7: {  	s28 =	simm.s32 $_size_execute0_lowered;
	s3 =	sadd.s32 s3, s5;
	[dreg:$0x0] =	wrdreg $0x0  }
0xa8: {  	s5 =	sshll.u32 s28, $0x1;
	[dreg:$0x2] =	wrdreg s3  }
0xa9: {  	[dreg:$0x3] =	wrdreg s5  }
0xaa: {  	[dreg:$0x4] =	wrdreg $0xC0  }
0xab: {  	_ =	task [dreg:s7], $0x5FFFF  }
0xac: {  	[dreg:$0x1] =	wrdreg $0xFFFFFFFF  }
0xad: {  	[dreg:$0x0] =	wrdreg $0x60  }
0xae: {  	[dreg:$0x2] =	wrdreg s2  }
0xaf: {  	[dreg:$0x3] =	wrdreg s24  }
0xb0: {  	[dreg:$0x4] =	wrdreg $0x9  }
0xb1: {  	_ =	task.clear_ibuf [dreg:s7], $0x5FFFF;
	_ =	strace $0x90000046  }
0xb2: {  	s29 =	simm.s32 $0x9;
	_ =	strace $0x80000048  }
0xb3: {  	_ =	swait.ge [sflag:s29], $0x1  }
0xb4: {  	[sflag:s29] =	ssyncadd.s32 $0xFFFFFFFF  }
0xb5: {  	_ =	strace $0x90000048  }
0xb6: {  	_ =	sfence  }
0xb7: {  	s30 =	sld [smem:$0x0];
	_ =	sdelay $0x2  }
0xb8: {  	s31 =	sshll.u32 s1, $0xD;
	s1 =	sshrl.u32 s1, $0x2  }
0xb9: {  	s3 =	sand.u32 $0x4000, s31;
	s1 =	sadd.s32 s1, s30  }
0xba: {  	s0 =	sor.u32 s3, s0;
	s1 =	sshll.u32 s1, $0x11  }
0xbb: {  	s0 =	sor.u32 s1, s0  }
0xbc: {  	s0 =	sadd.s32 $0x8F2B, s0  }
0xbd: {  	[sflag:s0] =	ssyncadd.remote.s32 $0x1  }
0xbe: {  	_ =	sfence.sel $0xFFFF  }
0xbf: {  	[dreg:$0x0] =	wrdreg $0xFFFFFFFF;
	(pc) =	sbr.abs _section_cstart, $3  }
0xc0: {  	[dreg:$0x1] =	wrdreg $0xFFFFFFFF  }
0xc1: {  	_ =	task.clear_ibuf [dreg:s7], $0x2FFFF;
	_ =	strace $0x9FFFFFFF  }
0xc2: {  	(tm) =	ssettm $0x7FFFFFFF  }
0xc3: {  	_ =	shalt  }
tec
execute0_lowered:
.L_overlay_start_1:
0x0: {  	(tag) =	ssettag $0x1  }
0x1: {  	s6 =	rddreg [dreg:$0x0];
	s1 =	srdreg.scid  }
0x2: {  	s0 =	stileid.u32;
	s5 =	rddreg [dreg:$0x1]  }
0x3: {  	s2 =	simm.s32 $0x0;
	s10 =	simm.s32 $0x6400;
	s11 =	simm.s32 $0xC800  }
0x4: {  	s12 =	simm.s32 $0x1;
	s13 =	simm.s32 $0x12C00;
	s14 =	simm.s32 $0x2  }
0x5: {  	s15 =	simm.s32 $0x4;
	s16 =	simm.s32 $0x19000;
	s17 =	simm.s32 $0x3  }
0x6: {  	s4 =	sand.u32 $0x1, s1;
	s3 =	sshll.u32 s0, $0x1;
	s1 =	rddreg [dreg:$0x2]  }
0x7: {  	s18 =	simm.s32 $0x0;
	[smem:$0x7FF] =	sst s2;
	s3 =	sor.u32 s4, s3  }
0x8: {  	_ =	strace $0x80000047;
	s7 =	ssub.s32 $0x2, s4;
	s3 =	smul.u32 $0x6400, s3  }
0x9: {  	s4 =	sadd.s32 $0xF42E00, s5;
	s5 =	sadd.s32 $0xA00, s5;
	s8 =	sshrl.u32 s7, $0x1  }
0xa: {  	s7 =	ssub.s32 s7, s8;
	s8 =	simm.s32 $0x5;
	s9 =	sshrl.u32 s3, $0x3  }
0xb: {  	s7 =	smax.u32 s7, $0x1;
	s6 =	sadd.s32 s6, s9;
	s9 =	simm.s32 $0xC8  }
.LBB2_1:
0xc: {  	[tilespmem:s2], [sflag:$0x5] =	stream.linear.gather [hbm4b:s6+s2], $0x6400, $0x38;
	[tilespmem:$0x1F400] =	vst v63  }
0xd: {  	_ =	swait.ge [sflag:s8], $0x6400  }
0xe: {  	[sflag:s8] =	ssyncset.done $0x0  }
0xf: {  	s19 =	simm.s32 $0x0;
	[sflag:s8] =	ssyncadd.s32 $0xFFFF9C00  }
0x10: {  	[tilespmem:s10], [sflag:$0x1] =	stream.indirect.gather [hbm4b:s4+s9], $0x80, s2, s9, $0xb8;
	[tilespmem:$0x1F400] =	vst v63  }
.LBB2_2:
0x11: {  	s20 =	sshllo.u32 s19, $0x1  }
0x12: {  	s21 =	smul.u32 $0x320, s20;
	_ =	sdelay $0x1  }
0x13: {  	s21 =	sshra.s32 s21, $0x2  }
0x14: {  	[tilespmem:s11], [sflag:$0x2] =	stream.indirect.gather [hbm4b:s4+s9], $0x80, s21, s9, $0xb8;
	[tilespmem:$0x1F400] =	vst v63  }
0x15: {  	_ =	swait.ge [sflag:s12], $0x6400  }
0x16: {  	p0 =	seq.s32 s19, $0x0;
	[sflag:s12] =	ssyncset.done $0x0  }
0x17: {  	s21 =	simm.s32 @!p0 $0x3;
	[sflag:s12] =	ssyncadd.s32 $0xFFFF9C00  }
0x18: {  	_ =	swait.ge @!p0 [sflag:s21], $0x6400  }
0x19: {  	[sflag:s21] =	ssyncset.done @!p0 $0x0  }
0x1a: {  	[sflag:s21] =	ssyncadd.s32 @!p0 $0xFFFF9C00;
	s21 =	simm.s32 $0x0  }
0x1b: {  	v0 =	vld [tilespmem:s21+$0x67B0]  }
0x1c: {  	v1 =	vld [tilespmem:s21+$0x6400];
	_ =	sdelay $0x1  }
0x1d: {  	v2 =	vld [tilespmem:s21+$0x6410]  }
0x1e: {  	v3 =	vld [tilespmem:s21+$0x6420]  }
0x1f: {  	v4 =	vld [tilespmem:s21+$0x6430];
	v0 =	vmul.f32 $8.000000000e+00, v0  }
0x20: {  	v5 =	vld [tilespmem:s21+$0x6480];
	v1 =	vmul.f32 $8.000000000e+00, v1  }
0x21: {  	v6 =	vld [tilespmem:s21+$0x6490];
	[tilespmem:s21+$0x12FB0] =	vst v0  }
0x22: {  	v0 =	vmul.f32 $8.000000000e+00, v2;
	[tilespmem:s21+$0x12C00] =	vst v1;
	v1 =	vld [tilespmem:s21+$0x64B0]  }
0x23: {  	v7 =	vld [tilespmem:s21+$0x64A0];
	v2 =	vmul.f32 $8.000000000e+00, v3  }
0x24: {  	v3 =	vmul.f32 $8.000000000e+00, v4;
	[tilespmem:s21+$0x12C10] =	vst v0;
	v0 =	vld [tilespmem:s21+$0x6500]  }
0x25: {  	v4 =	vmul.f32 $8.000000000e+00, v5;
	[tilespmem:s21+$0x12C20] =	vst v2;
	v2 =	vld [tilespmem:s21+$0x6510]  }
0x26: {  	v5 =	vmul.f32 $8.000000000e+00, v6;
	[tilespmem:s21+$0x12C30] =	vst v3;
	v3 =	vld [tilespmem:s21+$0x6520]  }
0x27: {  	[tilespmem:s21+$0x12C80] =	vst v4;
	v4 =	vld [tilespmem:s21+$0x6530];
	v1 =	vmul.f32 $8.000000000e+00, v1  }
0x28: {  	v6 =	vmul.f32 $8.000000000e+00, v7;
	[tilespmem:s21+$0x12C90] =	vst v5;
	v5 =	vld [tilespmem:s21+$0x6580]  }
0x29: {  	v0 =	vmul.f32 $8.000000000e+00, v0;
	[tilespmem:s21+$0x12CB0] =	vst v1;
	v1 =	vld [tilespmem:s21+$0x65A0]  }
0x2a: {  	[tilespmem:s21+$0x12CA0] =	vst v6;
	v6 =	vld [tilespmem:s21+$0x6590];
	v2 =	vmul.f32 $8.000000000e+00, v2  }
0x2b: {  	v3 =	vmul.f32 $8.000000000e+00, v3;
	[tilespmem:s21+$0x12D00] =	vst v0;
	v0 =	vld [tilespmem:s21+$0x65B0]  }
0x2c: {  	v4 =	vmul.f32 $8.000000000e+00, v4;
	[tilespmem:s21+$0x12D10] =	vst v2;
	v2 =	vld [tilespmem:s21+$0x6600]  }
0x2d: {  	v5 =	vmul.f32 $8.000000000e+00, v5;
	[tilespmem:s21+$0x12D20] =	vst v3;
	v3 =	vld [tilespmem:s21+$0x6610]  }
0x2e: {  	[tilespmem:s21+$0x12D30] =	vst v4;
	v4 =	vld [tilespmem:s21+$0x6620];
	v1 =	vmul.f32 $8.000000000e+00, v1  }
0x2f: {  	v6 =	vmul.f32 $8.000000000e+00, v6;
	[tilespmem:s21+$0x12D80] =	vst v5;
	v5 =	vld [tilespmem:s21+$0x6630]  }
0x30: {  	v0 =	vmul.f32 $8.000000000e+00, v0;
	[tilespmem:s21+$0x12DA0] =	vst v1;
	v1 =	vld [tilespmem:s21+$0x6690]  }
0x31: {  	[tilespmem:s21+$0x12D90] =	vst v6;
	v6 =	vld [tilespmem:s21+$0x6680];
	v2 =	vmul.f32 $8.000000000e+00, v2  }
0x32: {  	[tilespmem:s21+$0x12DB0] =	vst v0;
	v0 =	vmul.f32 $8.000000000e+00, v3;
	v3 =	vld [tilespmem:s21+$0x66B0]  }
0x33: {  	v7 =	vld [tilespmem:s21+$0x66A0];
	[tilespmem:s21+$0x12E00] =	vst v2;
	v2 =	vmul.f32 $8.000000000e+00, v4  }
0x34: {  	v4 =	vld [tilespmem:s21+$0x6700];
	[tilespmem:s21+$0x12E10] =	vst v0;
	v0 =	vmul.f32 $8.000000000e+00, v5  }
0x35: {  	v8 =	vld [tilespmem:s21+$0x6710];
	[tilespmem:s21+$0x12E20] =	vst v2;
	v5 =	vmul.f32 $8.000000000e+00, v1  }
0x36: {  	v2 =	vmul.f32 $8.000000000e+00, v6;
	[tilespmem:s21+$0x12E30] =	vst v0;
	v0 =	vld [tilespmem:s21+$0x6720]  }
0x37: {  	v1 =	vld [tilespmem:s21+$0x6730];
	[tilespmem:s21+$0x12E90] =	vst v5;
	v5 =	vmul.f32 $8.000000000e+00, v3  }
0x38: {  	v6 =	vmul.f32 $8.000000000e+00, v7;
	[tilespmem:s21+$0x12E80] =	vst v2;
	v2 =	vld [tilespmem:s21+$0x6780]  }
0x39: {  	v3 =	vld [tilespmem:s21+$0x6790];
	[tilespmem:s21+$0x12EB0] =	vst v5;
	v5 =	vmul.f32 $8.000000000e+00, v4  }
0x3a: {  	s22 =	simm.s32 $0x400;
	s23 =	simm.s32 $0x2000;
	[tilespmem:s21+$0x12EA0] =	vst v6;
	v6 =	vmul.f32 $8.000000000e+00, v8;
	v4 =	vld [tilespmem:s21+$0x67A0]  }
.LBB2_3:
0x3b: {  	p1 =	sne.s32 s23, $0x18000;
	v7 =	vld [tilespmem:s22+$0x67B0];
	[tilespmem:s21+$0x12F00] =	vst v5;
	v0 =	vmul.f32 $8.000000000e+00, v0  }
0x3c: {  	v5 =	vld [tilespmem:s22+$0x6400];
	[tilespmem:s21+$0x12F10] =	vst v6;
	v1 =	vmul.f32 $8.000000000e+00, v1  }
0x3d: {  	v6 =	vld [tilespmem:s22+$0x6410];
	[tilespmem:s21+$0x12F20] =	vst v0;
	v0 =	vmul.f32 $8.000000000e+00, v2  }
0x3e: {  	v2 =	vld [tilespmem:s22+$0x6420];
	[tilespmem:s21+$0x12F30] =	vst v1;
	v1 =	vmul.f32 $8.000000000e+00, v3  }
0x3f: {  	v3 =	vld [tilespmem:s22+$0x6430];
	[tilespmem:s21+$0x12F80] =	vst v0;
	v0 =	vmul.f32 $8.000000000e+00, v4  }
0x40: {  	v4 =	vld [tilespmem:s22+$0x6480];
	v7 =	vmul.f32 $8.000000000e+00, v7;
	[tilespmem:s21+$0x12F90] =	vst v1  }
0x41: {  	v1 =	vmul.f32 $8.000000000e+00, v5;
	v5 =	vld [tilespmem:s22+$0x6490];
	[tilespmem:s21+$0x12FA0] =	vst v0;
	s21 =	smov.u32 s22  }
0x42: {  	v0 =	vmul.f32 $8.000000000e+00, v6;
	v6 =	vld [tilespmem:s21+$0x64A0];
	[tilespmem:s21+$0x12FB0] =	vst v7  }
0x43: {  	[tilespmem:s21+$0x12C00] =	vst v1;
	v1 =	vmul.f32 $8.000000000e+00, v2;
	v2 =	vld [tilespmem:s21+$0x64B0]  }
0x44: {  	[tilespmem:s21+$0x12C10] =	vst v0;
	v0 =	vmul.f32 $8.000000000e+00, v3;
	v3 =	vld [tilespmem:s21+$0x6500]  }
0x45: {  	[tilespmem:s21+$0x12C20] =	vst v1;
	v1 =	vmul.f32 $8.000000000e+00, v4;
	v4 =	vld [tilespmem:s21+$0x6510]  }
0x46: {  	[tilespmem:s21+$0x12C30] =	vst v0;
	v0 =	vmul.f32 $8.000000000e+00, v5;
	v5 =	vld [tilespmem:s21+$0x6520]  }
0x47: {  	[tilespmem:s21+$0x12C80] =	vst v1;
	v1 =	vmul.f32 $8.000000000e+00, v6;
	v6 =	vld [tilespmem:s21+$0x6530]  }
0x48: {  	[tilespmem:s21+$0x12C90] =	vst v0;
	v0 =	vmul.f32 $8.000000000e+00, v2;
	v2 =	vld [tilespmem:s21+$0x6580]  }
0x49: {  	[tilespmem:s21+$0x12CA0] =	vst v1;
	v1 =	vmul.f32 $8.000000000e+00, v3;
	v3 =	vld [tilespmem:s21+$0x6590]  }
0x4a: {  	[tilespmem:s21+$0x12CB0] =	vst v0;
	v0 =	vmul.f32 $8.000000000e+00, v4;
	v4 =	vld [tilespmem:s21+$0x65A0]  }
0x4b: {  	[tilespmem:s21+$0x12D00] =	vst v1;
	v1 =	vmul.f32 $8.000000000e+00, v5;
	v5 =	vld [tilespmem:s21+$0x65B0]  }
0x4c: {  	[tilespmem:s21+$0x12D10] =	vst v0;
	v0 =	vmul.f32 $8.000000000e+00, v6;
	v6 =	vld [tilespmem:s21+$0x6600]  }
0x4d: {  	[tilespmem:s21+$0x12D20] =	vst v1;
	v1 =	vmul.f32 $8.000000000e+00, v2;
	v2 =	vld [tilespmem:s21+$0x6610]  }
0x4e: {  	[tilespmem:s21+$0x12D30] =	vst v0;
	v0 =	vmul.f32 $8.000000000e+00, v3;
	v3 =	vld [tilespmem:s21+$0x6620]  }
0x4f: {  	[tilespmem:s21+$0x12D80] =	vst v1;
	v1 =	vmul.f32 $8.000000000e+00, v4;
	v4 =	vld [tilespmem:s21+$0x6630]  }
0x50: {  	[tilespmem:s21+$0x12D90] =	vst v0;
	v0 =	vmul.f32 $8.000000000e+00, v5;
	v5 =	vld [tilespmem:s21+$0x6680]  }
0x51: {  	[tilespmem:s21+$0x12DA0] =	vst v1;
	v1 =	vmul.f32 $8.000000000e+00, v6;
	v6 =	vld [tilespmem:s21+$0x6690]  }
0x52: {  	[tilespmem:s21+$0x12DB0] =	vst v0;
	v0 =	vmul.f32 $8.000000000e+00, v2;
	v2 =	vld [tilespmem:s21+$0x66A0]  }
0x53: {  	[tilespmem:s21+$0x12E00] =	vst v1;
	v1 =	vmul.f32 $8.000000000e+00, v3;
	v3 =	vld [tilespmem:s21+$0x66B0]  }
0x54: {  	[tilespmem:s21+$0x12E10] =	vst v0;
	v0 =	vmul.f32 $8.000000000e+00, v4;
	v4 =	vld [tilespmem:s21+$0x6700]  }
0x55: {  	[tilespmem:s21+$0x12E20] =	vst v1;
	v1 =	vmul.f32 $8.000000000e+00, v5;
	v7 =	vld [tilespmem:s21+$0x6710]  }
.Ltmp0:
0x56: {  	[tilespmem:s21+$0x12E30] =	vst v0;
	v5 =	vmul.f32 $8.000000000e+00, v6;
	v0 =	vld [tilespmem:s21+$0x6720];
	(pc) =	sbr.rel @p1 .LBB2_3-.Ltmp0, $4  }
0x57: {  	[tilespmem:s21+$0x12E80] =	vst v1;
	v6 =	vmul.f32 $8.000000000e+00, v2;
	v1 =	vld [tilespmem:s21+$0x6730]  }
0x58: {  	[tilespmem:s21+$0x12E90] =	vst v5;
	v8 =	vmul.f32 $8.000000000e+00, v3;
	v2 =	vld [tilespmem:s21+$0x6780]  }
0x59: {  	[tilespmem:s21+$0x12EA0] =	vst v6;
	v5 =	vmul.f32 $8.000000000e+00, v4;
	v3 =	vld [tilespmem:s21+$0x6790]  }
0x5a: {  	s22 =	sshra.s32 s23, $0x2;
	s23 =	sadd.s32 $0x1000, s23;
	[tilespmem:s21+$0x12EB0] =	vst v8;
	v6 =	vmul.f32 $8.000000000e+00, v7;
	v4 =	vld [tilespmem:s21+$0x67A0]  }
0x5b: {  	v7 =	vld [tilespmem:s22+$0x67B0];
	[tilespmem:s21+$0x12F00] =	vst v5;
	v0 =	vmul.f32 $8.000000000e+00, v0  }
0x5c: {  	v5 =	vld [tilespmem:s22+$0x6400];
	[tilespmem:s21+$0x12F10] =	vst v6;
	v1 =	vmul.f32 $8.000000000e+00, v1  }
0x5d: {  	v6 =	vld [tilespmem:s22+$0x6410];
	[tilespmem:s21+$0x12F20] =	vst v0;
	v2 =	vmul.f32 $8.000000000e+00, v2  }
0x5e: {  	v0 =	vld [tilespmem:s22+$0x6420];
	[tilespmem:s21+$0x12F30] =	vst v1;
	v3 =	vmul.f32 $8.000000000e+00, v3  }
0x5f: {  	v1 =	vld [tilespmem:s22+$0x6430];
	[tilespmem:s21+$0x12F80] =	vst v2;
	v4 =	vmul.f32 $8.000000000e+00, v4  }
0x60: {  	v2 =	vld [tilespmem:s22+$0x6480];
	[tilespmem:s21+$0x12F90] =	vst v3;
	v7 =	vmul.f32 $8.000000000e+00, v7  }
0x61: {  	v3 =	vld [tilespmem:s22+$0x6490];
	[tilespmem:s21+$0x12FA0] =	vst v4;
	v32 =	vmul.f32 $8.000000000e+00, v5  }
0x62: {  	v33 =	vld [tilespmem:s22+$0x64A0];
	[tilespmem:s22+$0x12FB0] =	vst v7;
	v6 =	vmul.f32 $8.000000000e+00, v6  }
0x63: {  	v34 =	vld [tilespmem:s22+$0x64B0];
	[tilespmem:s22+$0x12C00] =	vst v32;
	v0 =	vmul.f32 $8.000000000e+00, v0  }
0x64: {  	v35 =	vld [tilespmem:s22+$0x6500];
	[tilespmem:s22+$0x12C10] =	vst v6;
	v1 =	vmul.f32 $8.000000000e+00, v1  }
0x65: {  	v36 =	vld [tilespmem:s22+$0x6510];
	[tilespmem:s22+$0x12C20] =	vst v0;
	v2 =	vmul.f32 $8.000000000e+00, v2  }
0x66: {  	v37 =	vld [tilespmem:s22+$0x6520];
	[tilespmem:s22+$0x12C30] =	vst v1;
	v3 =	vmul.f32 $8.000000000e+00, v3  }
0x67: {  	v38 =	vld [tilespmem:s22+$0x6530];
	[tilespmem:s22+$0x12C80] =	vst v2;
	v5 =	vmul.f32 $8.000000000e+00, v33  }
0x68: {  	v52 =	vld [tilespmem:s22+$0x6710];
	v4 =	vmul.f32 $8.000000000e+00, v34;
	[tilespmem:s22+$0x12C90] =	vst v3  }
0x69: {  	v53 =	vld [tilespmem:s22+$0x6720];
	v6 =	vmul.f32 $8.000000000e+00, v35;
	[tilespmem:s22+$0x12CA0] =	vst v5  }
0x6a: {  	v54 =	vld [tilespmem:s22+$0x6730];
	v0 =	vmul.f32 $8.000000000e+00, v36;
	[tilespmem:s22+$0x12CB0] =	vst v4  }
0x6b: {  	v55 =	vld [tilespmem:s22+$0x6780];
	v1 =	vmul.f32 $8.000000000e+00, v37;
	[tilespmem:s22+$0x12D00] =	vst v6  }
0x6c: {  	v56 =	vld [tilespmem:s22+$0x6790];
	v2 =	vmul.f32 $8.000000000e+00, v38;
	[tilespmem:s22+$0x12D10] =	vst v0  }
0x6d: {  	v58 =	vld [tilespmem:s22+$0x67A0];
	v57 =	vmul.f32 $8.000000000e+00, v52;
	[tilespmem:s22+$0x12D20] =	vst v1  }
0x6e: {  	v39 =	vld [tilespmem:s22+$0x6580];
	v59 =	vmul.f32 $8.000000000e+00, v53;
	[tilespmem:s22+$0x12D30] =	vst v2  }
0x6f: {  	v40 =	vld [tilespmem:s22+$0x6590];
	v60 =	vmul.f32 $8.000000000e+00, v54;
	[tilespmem:s22+$0x12F10] =	vst v57  }
0x70: {  	v41 =	vld [tilespmem:s22+$0x65A0];
	v61 =	vmul.f32 $8.000000000e+00, v55;
	[tilespmem:s22+$0x12F20] =	vst v59  }
0x71: {  	v42 =	vld [tilespmem:s22+$0x65B0];
	v62 =	vmul.f32 $8.000000000e+00, v56;
	[tilespmem:s22+$0x12F30] =	vst v60  }
0x72: {  	v43 =	vld [tilespmem:s22+$0x6600];
	v63 =	vmul.f32 $8.000000000e+00, v58;
	[tilespmem:s22+$0x12F80] =	vst v61  }
0x73: {  	v44 =	vld [tilespmem:s22+$0x6610];
	v3 =	vmul.f32 $8.000000000e+00, v39;
	[tilespmem:s22+$0x12F90] =	vst v62  }
0x74: {  	v45 =	vld [tilespmem:s22+$0x6620];
	v5 =	vmul.f32 $8.000000000e+00, v40;
	[tilespmem:s22+$0x12FA0] =	vst v63  }
0x75: {  	v46 =	vld [tilespmem:s22+$0x6630];
	v4 =	vmul.f32 $8.000000000e+00, v41;
	[tilespmem:s22+$0x12D80] =	vst v3  }
0x76: {  	v47 =	vld [tilespmem:s22+$0x6680];
	v6 =	vmul.f32 $8.000000000e+00, v42;
	[tilespmem:s22+$0x12D90] =	vst v5  }
0x77: {  	v48 =	vld [tilespmem:s22+$0x6690];
	v0 =	vmul.f32 $8.000000000e+00, v43;
	[tilespmem:s22+$0x12DA0] =	vst v4  }
0x78: {  	v49 =	vld [tilespmem:s22+$0x66A0];
	v1 =	vmul.f32 $8.000000000e+00, v44;
	[tilespmem:s22+$0x12DB0] =	vst v6  }
0x79: {  	v50 =	vld [tilespmem:s22+$0x66B0];
	v2 =	vmul.f32 $8.000000000e+00, v45;
	[tilespmem:s22+$0x12E00] =	vst v0  }
0x7a: {  	v51 =	vld [tilespmem:s22+$0x6700];
	v3 =	vmul.f32 $8.000000000e+00, v46;
	[tilespmem:s22+$0x12E10] =	vst v1  }
0x7b: {  	[tilespmem:s22+$0x12E20] =	vst v2;
	v5 =	vmul.f32 $8.000000000e+00, v47  }
0x7c: {  	v4 =	vmul.f32 $8.000000000e+00, v48;
	[tilespmem:s22+$0x12E30] =	vst v3  }
0x7d: {  	s31 =	smul.u32 $0x190, s19;
	p1 =	sne.s32 s19, $0x3F;
	v6 =	vmul.f32 $8.000000000e+00, v49;
	[tilespmem:s22+$0x12E80] =	vst v5  }
.Ltmp1:
0x7e: {  	v0 =	vmul.f32 $8.000000000e+00, v50;
	[tilespmem:s22+$0x12E90] =	vst v4;
	(pc) =	sbr.rel @p1 .LBB2_6-.Ltmp1, $4  }
0x7f: {  	s21 =	sadd.s32 s3, s31;
	v1 =	vmul.f32 $8.000000000e+00, v51;
	[tilespmem:s22+$0x12EA0] =	vst v6  }
0x80: {  	s21 =	sshll.u32 s21, $0x4;
	[tilespmem:s22+$0x12EB0] =	vst v0  }
0x81: {  	s21 =	sadd.s32 s5, s21;
	[tilespmem:s22+$0x12F00] =	vst v1  }
0x82: {  	[hbm4b:s21+s2] =	stream.linear.scatter [tilespmem:s13], [sflag:$0x3], $0x6400, $0x38;
	[tilespmem:$0x1F400] =	vst v63  }
.Ltmp2:
0x83: {  	(pc) =	sbr.rel .LBB2_7-.Ltmp2, $4  }
0x84: {  	_ = 	snop  }
0x85: {  	_ =	swait.ge [sflag:s14], $0x6400  }
0x86: {  	[sflag:s14] =	ssyncset.done $0x0  }
0x87: {  	[sflag:s14] =	ssyncadd.s32 $0xFFFF9C00  }
.LBB2_6:
0x88: {  	s21 =	smul.u32 $0x640, s19;
	_ =	sdelay $0x1  }
0x89: {  	s21 =	sshra.s32 s21, $0x2  }
.Ltmp3:
0x8a: {  	s21 =	sadd.s32 $0x190, s21;
	(pc) =	sbr.rel @p0 .LBB2_8-.Ltmp3, $4  }
0x8b: {  	[tilespmem:s10], [sflag:$0x1] =	stream.indirect.gather [hbm4b:s4+s9], $0x80, s21, s9, $0xb8;
	[tilespmem:$0x1F400] =	vst v63  }
0x8c: {  	_ =	swait.ge [sflag:s14], $0x6400  }
0x8d: {  	[sflag:s14] =	ssyncset.done $0x0  }
0x8e: {  	[sflag:s14] =	ssyncadd.s32 $0xFFFF9C00  }
.LBB2_7:
0x8f: {  	_ =	swait.ge [sflag:s15], $0x6400  }
0x90: {  	[sflag:s15] =	ssyncset.done $0x0  }
0x91: {  	[sflag:s15] =	ssyncadd.s32 $0xFFFF9C00  }
.LBB2_8:
0x92: {  	s21 =	simm.s32 $0x0  }
0x93: {  	v0 =	vld [tilespmem:s21+$0xCBB0]  }
0x94: {  	v1 =	vld [tilespmem:s21+$0xC800];
	_ =	sdelay $0x1  }
0x95: {  	v2 =	vld [tilespmem:s21+$0xC810]  }
0x96: {  	v3 =	vld [tilespmem:s21+$0xC820]  }
0x97: {  	v4 =	vld [tilespmem:s21+$0xC830];
	v0 =	vmul.f32 $8.000000000e+00, v0  }
0x98: {  	v5 =	vld [tilespmem:s21+$0xC880];
	v1 =	vmul.f32 $8.000000000e+00, v1  }
0x99: {  	v6 =	vld [tilespmem:s21+$0xC890];
	[tilespmem:s21+$0x193B0] =	vst v0  }
0x9a: {  	v0 =	vmul.f32 $8.000000000e+00, v2;
	[tilespmem:s21+$0x19000] =	vst v1;
	v1 =	vld [tilespmem:s21+$0xC8B0]  }
0x9b: {  	v7 =	vld [tilespmem:s21+$0xC8A0];
	v2 =	vmul.f32 $8.000000000e+00, v3  }
0x9c: {  	v3 =	vmul.f32 $8.000000000e+00, v4;
	[tilespmem:s21+$0x19010] =	vst v0;
	v0 =	vld [tilespmem:s21+$0xC900]  }
0x9d: {  	v4 =	vmul.f32 $8.000000000e+00, v5;
	[tilespmem:s21+$0x19020] =	vst v2;
	v2 =	vld [tilespmem:s21+$0xC910]  }
0x9e: {  	v5 =	vmul.f32 $8.000000000e+00, v6;
	[tilespmem:s21+$0x19030] =	vst v3;
	v3 =	vld [tilespmem:s21+$0xC920]  }
0x9f: {  	[tilespmem:s21+$0x19080] =	vst v4;
	v4 =	vld [tilespmem:s21+$0xC930];
	v1 =	vmul.f32 $8.000000000e+00, v1  }
0xa0: {  	v6 =	vmul.f32 $8.000000000e+00, v7;
	[tilespmem:s21+$0x19090] =	vst v5;
	v5 =	vld [tilespmem:s21+$0xC980]  }
0xa1: {  	v0 =	vmul.f32 $8.000000000e+00, v0;
	[tilespmem:s21+$0x190B0] =	vst v1;
	v1 =	vld [tilespmem:s21+$0xC9A0]  }
0xa2: {  	[tilespmem:s21+$0x190A0] =	vst v6;
	v6 =	vld [tilespmem:s21+$0xC990];
	v2 =	vmul.f32 $8.000000000e+00, v2  }
0xa3: {  	v3 =	vmul.f32 $8.000000000e+00, v3;
	[tilespmem:s21+$0x19100] =	vst v0;
	v0 =	vld [tilespmem:s21+$0xC9B0]  }
0xa4: {  	v4 =	vmul.f32 $8.000000000e+00, v4;
	[tilespmem:s21+$0x19110] =	vst v2;
	v2 =	vld [tilespmem:s21+$0xCA00]  }
0xa5: {  	v5 =	vmul.f32 $8.000000000e+00, v5;
	[tilespmem:s21+$0x19120] =	vst v3;
	v3 =	vld [tilespmem:s21+$0xCA10]  }
0xa6: {  	[tilespmem:s21+$0x19130] =	vst v4;
	v4 =	vld [tilespmem:s21+$0xCA20];
	v1 =	vmul.f32 $8.000000000e+00, v1  }
0xa7: {  	v6 =	vmul.f32 $8.000000000e+00, v6;
	[tilespmem:s21+$0x19180] =	vst v5;
	v5 =	vld [tilespmem:s21+$0xCA30]  }
0xa8: {  	v0 =	vmul.f32 $8.000000000e+00, v0;
	[tilespmem:s21+$0x191A0] =	vst v1;
	v1 =	vld [tilespmem:s21+$0xCA90]  }
0xa9: {  	[tilespmem:s21+$0x19190] =	vst v6;
	v6 =	vld [tilespmem:s21+$0xCA80];
	v2 =	vmul.f32 $8.000000000e+00, v2  }
0xaa: {  	[tilespmem:s21+$0x191B0] =	vst v0;
	v0 =	vmul.f32 $8.000000000e+00, v3;
	v3 =	vld [tilespmem:s21+$0xCAB0]  }
0xab: {  	v7 =	vld [tilespmem:s21+$0xCAA0];
	[tilespmem:s21+$0x19200] =	vst v2;
	v2 =	vmul.f32 $8.000000000e+00, v4  }
0xac: {  	v4 =	vld [tilespmem:s21+$0xCB00];
	[tilespmem:s21+$0x19210] =	vst v0;
	v0 =	vmul.f32 $8.000000000e+00, v5  }
0xad: {  	v8 =	vld [tilespmem:s21+$0xCB10];
	[tilespmem:s21+$0x19220] =	vst v2;
	v5 =	vmul.f32 $8.000000000e+00, v1  }
0xae: {  	v2 =	vmul.f32 $8.000000000e+00, v6;
	[tilespmem:s21+$0x19230] =	vst v0;
	v0 =	vld [tilespmem:s21+$0xCB20]  }
0xaf: {  	v1 =	vld [tilespmem:s21+$0xCB30];
	[tilespmem:s21+$0x19290] =	vst v5;
	v5 =	vmul.f32 $8.000000000e+00, v3  }
0xb0: {  	v6 =	vmul.f32 $8.000000000e+00, v7;
	[tilespmem:s21+$0x19280] =	vst v2;
	v2 =	vld [tilespmem:s21+$0xCB80]  }
0xb1: {  	v3 =	vld [tilespmem:s21+$0xCB90];
	[tilespmem:s21+$0x192B0] =	vst v5;
	v5 =	vmul.f32 $8.000000000e+00, v4  }
0xb2: {  	s22 =	simm.s32 $0x400;
	s23 =	simm.s32 $0x2000;
	[tilespmem:s21+$0x192A0] =	vst v6;
	v6 =	vmul.f32 $8.000000000e+00, v8;
	v4 =	vld [tilespmem:s21+$0xCBA0]  }
.LBB2_9:
0xb3: {  	p0 =	sne.s32 s23, $0x18000;
	v7 =	vld [tilespmem:s22+$0xCBB0];
	[tilespmem:s21+$0x19300] =	vst v5;
	v0 =	vmul.f32 $8.000000000e+00, v0  }
0xb4: {  	v5 =	vld [tilespmem:s22+$0xC800];
	[tilespmem:s21+$0x19310] =	vst v6;
	v1 =	vmul.f32 $8.000000000e+00, v1  }
0xb5: {  	v6 =	vld [tilespmem:s22+$0xC810];
	[tilespmem:s21+$0x19320] =	vst v0;
	v0 =	vmul.f32 $8.000000000e+00, v2  }
0xb6: {  	v2 =	vld [tilespmem:s22+$0xC820];
	[tilespmem:s21+$0x19330] =	vst v1;
	v1 =	vmul.f32 $8.000000000e+00, v3  }
0xb7: {  	v3 =	vld [tilespmem:s22+$0xC830];
	[tilespmem:s21+$0x19380] =	vst v0;
	v0 =	vmul.f32 $8.000000000e+00, v4  }
0xb8: {  	v4 =	vld [tilespmem:s22+$0xC880];
	v7 =	vmul.f32 $8.000000000e+00, v7;
	[tilespmem:s21+$0x19390] =	vst v1  }
0xb9: {  	v1 =	vmul.f32 $8.000000000e+00, v5;
	v5 =	vld [tilespmem:s22+$0xC890];
	[tilespmem:s21+$0x193A0] =	vst v0;
	s21 =	smov.u32 s22  }
0xba: {  	v0 =	vmul.f32 $8.000000000e+00, v6;
	v6 =	vld [tilespmem:s21+$0xC8A0];
	[tilespmem:s21+$0x193B0] =	vst v7  }
0xbb: {  	[tilespmem:s21+$0x19000] =	vst v1;
	v1 =	vmul.f32 $8.000000000e+00, v2;
	v2 =	vld [tilespmem:s21+$0xC8B0]  }
0xbc: {  	[tilespmem:s21+$0x19010] =	vst v0;
	v0 =	vmul.f32 $8.000000000e+00, v3;
	v3 =	vld [tilespmem:s21+$0xC900]  }
0xbd: {  	[tilespmem:s21+$0x19020] =	vst v1;
	v1 =	vmul.f32 $8.000000000e+00, v4;
	v4 =	vld [tilespmem:s21+$0xC910]  }
0xbe: {  	[tilespmem:s21+$0x19030] =	vst v0;
	v0 =	vmul.f32 $8.000000000e+00, v5;
	v5 =	vld [tilespmem:s21+$0xC920]  }
0xbf: {  	[tilespmem:s21+$0x19080] =	vst v1;
	v1 =	vmul.f32 $8.000000000e+00, v6;
	v6 =	vld [tilespmem:s21+$0xC930]  }
0xc0: {  	[tilespmem:s21+$0x19090] =	vst v0;
	v0 =	vmul.f32 $8.000000000e+00, v2;
	v2 =	vld [tilespmem:s21+$0xC980]  }
0xc1: {  	[tilespmem:s21+$0x190A0] =	vst v1;
	v1 =	vmul.f32 $8.000000000e+00, v3;
	v3 =	vld [tilespmem:s21+$0xC990]  }
0xc2: {  	[tilespmem:s21+$0x190B0] =	vst v0;
	v0 =	vmul.f32 $8.000000000e+00, v4;
	v4 =	vld [tilespmem:s21+$0xC9A0]  }
0xc3: {  	[tilespmem:s21+$0x19100] =	vst v1;
	v1 =	vmul.f32 $8.000000000e+00, v5;
	v5 =	vld [tilespmem:s21+$0xC9B0]  }
0xc4: {  	[tilespmem:s21+$0x19110] =	vst v0;
	v0 =	vmul.f32 $8.000000000e+00, v6;
	v6 =	vld [tilespmem:s21+$0xCA00]  }
0xc5: {  	[tilespmem:s21+$0x19120] =	vst v1;
	v1 =	vmul.f32 $8.000000000e+00, v2;
	v2 =	vld [tilespmem:s21+$0xCA10]  }
0xc6: {  	[tilespmem:s21+$0x19130] =	vst v0;
	v0 =	vmul.f32 $8.000000000e+00, v3;
	v3 =	vld [tilespmem:s21+$0xCA20]  }
0xc7: {  	[tilespmem:s21+$0x19180] =	vst v1;
	v1 =	vmul.f32 $8.000000000e+00, v4;
	v4 =	vld [tilespmem:s21+$0xCA30]  }
0xc8: {  	[tilespmem:s21+$0x19190] =	vst v0;
	v0 =	vmul.f32 $8.000000000e+00, v5;
	v5 =	vld [tilespmem:s21+$0xCA80]  }
0xc9: {  	[tilespmem:s21+$0x191A0] =	vst v1;
	v1 =	vmul.f32 $8.000000000e+00, v6;
	v6 =	vld [tilespmem:s21+$0xCA90]  }
0xca: {  	[tilespmem:s21+$0x191B0] =	vst v0;
	v0 =	vmul.f32 $8.000000000e+00, v2;
	v2 =	vld [tilespmem:s21+$0xCAA0]  }
0xcb: {  	[tilespmem:s21+$0x19200] =	vst v1;
	v1 =	vmul.f32 $8.000000000e+00, v3;
	v3 =	vld [tilespmem:s21+$0xCAB0]  }
0xcc: {  	[tilespmem:s21+$0x19210] =	vst v0;
	v0 =	vmul.f32 $8.000000000e+00, v4;
	v4 =	vld [tilespmem:s21+$0xCB00]  }
0xcd: {  	[tilespmem:s21+$0x19220] =	vst v1;
	v1 =	vmul.f32 $8.000000000e+00, v5;
	v7 =	vld [tilespmem:s21+$0xCB10]  }
.Ltmp4:
0xce: {  	[tilespmem:s21+$0x19230] =	vst v0;
	v5 =	vmul.f32 $8.000000000e+00, v6;
	v0 =	vld [tilespmem:s21+$0xCB20];
	(pc) =	sbr.rel @p0 .LBB2_9-.Ltmp4, $4  }
0xcf: {  	[tilespmem:s21+$0x19280] =	vst v1;
	v6 =	vmul.f32 $8.000000000e+00, v2;
	v1 =	vld [tilespmem:s21+$0xCB30]  }
0xd0: {  	[tilespmem:s21+$0x19290] =	vst v5;
	v8 =	vmul.f32 $8.000000000e+00, v3;
	v2 =	vld [tilespmem:s21+$0xCB80]  }
0xd1: {  	[tilespmem:s21+$0x192A0] =	vst v6;
	v5 =	vmul.f32 $8.000000000e+00, v4;
	v3 =	vld [tilespmem:s21+$0xCB90]  }
0xd2: {  	s22 =	sshra.s32 s23, $0x2;
	s23 =	sadd.s32 $0x1000, s23;
	[tilespmem:s21+$0x192B0] =	vst v8;
	v6 =	vmul.f32 $8.000000000e+00, v7;
	v4 =	vld [tilespmem:s21+$0xCBA0]  }
0xd3: {  	v7 =	vld [tilespmem:s22+$0xCBB0];
	[tilespmem:s21+$0x19300] =	vst v5;
	v0 =	vmul.f32 $8.000000000e+00, v0  }
0xd4: {  	v5 =	vld [tilespmem:s22+$0xC800];
	[tilespmem:s21+$0x19310] =	vst v6;
	v1 =	vmul.f32 $8.000000000e+00, v1  }
0xd5: {  	v6 =	vld [tilespmem:s22+$0xC810];
	[tilespmem:s21+$0x19320] =	vst v0;
	v2 =	vmul.f32 $8.000000000e+00, v2  }
0xd6: {  	v0 =	vld [tilespmem:s22+$0xC820];
	[tilespmem:s21+$0x19330] =	vst v1;
	v3 =	vmul.f32 $8.000000000e+00, v3  }
0xd7: {  	v1 =	vld [tilespmem:s22+$0xC830];
	[tilespmem:s21+$0x19380] =	vst v2;
	v4 =	vmul.f32 $8.000000000e+00, v4  }
0xd8: {  	v2 =	vld [tilespmem:s22+$0xC880];
	[tilespmem:s21+$0x19390] =	vst v3;
	v7 =	vmul.f32 $8.000000000e+00, v7  }
0xd9: {  	v3 =	vld [tilespmem:s22+$0xC890];
	[tilespmem:s21+$0x193A0] =	vst v4;
	v32 =	vmul.f32 $8.000000000e+00, v5  }
0xda: {  	v33 =	vld [tilespmem:s22+$0xC8A0];
	[tilespmem:s22+$0x193B0] =	vst v7;
	v6 =	vmul.f32 $8.000000000e+00, v6  }
0xdb: {  	v34 =	vld [tilespmem:s22+$0xC8B0];
	[tilespmem:s22+$0x19000] =	vst v32;
	v0 =	vmul.f32 $8.000000000e+00, v0  }
0xdc: {  	v35 =	vld [tilespmem:s22+$0xC900];
	[tilespmem:s22+$0x19010] =	vst v6;
	v1 =	vmul.f32 $8.000000000e+00, v1  }
0xdd: {  	v36 =	vld [tilespmem:s22+$0xC910];
	[tilespmem:s22+$0x19020] =	vst v0;
	v2 =	vmul.f32 $8.000000000e+00, v2  }
0xde: {  	v37 =	vld [tilespmem:s22+$0xC920];
	[tilespmem:s22+$0x19030] =	vst v1;
	v3 =	vmul.f32 $8.000000000e+00, v3  }
0xdf: {  	v38 =	vld [tilespmem:s22+$0xC930];
	[tilespmem:s22+$0x19080] =	vst v2;
	v5 =	vmul.f32 $8.000000000e+00, v33  }
0xe0: {  	v52 =	vld [tilespmem:s22+$0xCB10];
	v4 =	vmul.f32 $8.000000000e+00, v34;
	[tilespmem:s22+$0x19090] =	vst v3  }
0xe1: {  	v53 =	vld [tilespmem:s22+$0xCB20];
	v6 =	vmul.f32 $8.000000000e+00, v35;
	[tilespmem:s22+$0x190A0] =	vst v5  }
0xe2: {  	v54 =	vld [tilespmem:s22+$0xCB30];
	v0 =	vmul.f32 $8.000000000e+00, v36;
	[tilespmem:s22+$0x190B0] =	vst v4  }
0xe3: {  	v55 =	vld [tilespmem:s22+$0xCB80];
	v1 =	vmul.f32 $8.000000000e+00, v37;
	[tilespmem:s22+$0x19100] =	vst v6  }
0xe4: {  	v56 =	vld [tilespmem:s22+$0xCB90];
	v2 =	vmul.f32 $8.000000000e+00, v38;
	[tilespmem:s22+$0x19110] =	vst v0  }
0xe5: {  	v58 =	vld [tilespmem:s22+$0xCBA0];
	v57 =	vmul.f32 $8.000000000e+00, v52;
	[tilespmem:s22+$0x19120] =	vst v1  }
0xe6: {  	v39 =	vld [tilespmem:s22+$0xC980];
	v59 =	vmul.f32 $8.000000000e+00, v53;
	[tilespmem:s22+$0x19130] =	vst v2  }
0xe7: {  	v40 =	vld [tilespmem:s22+$0xC990];
	v60 =	vmul.f32 $8.000000000e+00, v54;
	[tilespmem:s22+$0x19310] =	vst v57  }
0xe8: {  	v41 =	vld [tilespmem:s22+$0xC9A0];
	v61 =	vmul.f32 $8.000000000e+00, v55;
	[tilespmem:s22+$0x19320] =	vst v59  }
0xe9: {  	v42 =	vld [tilespmem:s22+$0xC9B0];
	v62 =	vmul.f32 $8.000000000e+00, v56;
	[tilespmem:s22+$0x19330] =	vst v60  }
0xea: {  	v43 =	vld [tilespmem:s22+$0xCA00];
	v63 =	vmul.f32 $8.000000000e+00, v58;
	[tilespmem:s22+$0x19380] =	vst v61  }
0xeb: {  	v44 =	vld [tilespmem:s22+$0xCA10];
	v3 =	vmul.f32 $8.000000000e+00, v39;
	[tilespmem:s22+$0x19390] =	vst v62  }
0xec: {  	v45 =	vld [tilespmem:s22+$0xCA20];
	v5 =	vmul.f32 $8.000000000e+00, v40;
	[tilespmem:s22+$0x193A0] =	vst v63  }
0xed: {  	v46 =	vld [tilespmem:s22+$0xCA30];
	v4 =	vmul.f32 $8.000000000e+00, v41;
	[tilespmem:s22+$0x19180] =	vst v3  }
0xee: {  	v47 =	vld [tilespmem:s22+$0xCA80];
	v6 =	vmul.f32 $8.000000000e+00, v42;
	[tilespmem:s22+$0x19190] =	vst v5  }
0xef: {  	v48 =	vld [tilespmem:s22+$0xCA90];
	v0 =	vmul.f32 $8.000000000e+00, v43;
	[tilespmem:s22+$0x191A0] =	vst v4  }
0xf0: {  	v49 =	vld [tilespmem:s22+$0xCAA0];
	v1 =	vmul.f32 $8.000000000e+00, v44;
	[tilespmem:s22+$0x191B0] =	vst v6  }
0xf1: {  	v50 =	vld [tilespmem:s22+$0xCAB0];
	v2 =	vmul.f32 $8.000000000e+00, v45;
	[tilespmem:s22+$0x19200] =	vst v0  }
0xf2: {  	v51 =	vld [tilespmem:s22+$0xCB00];
	v3 =	vmul.f32 $8.000000000e+00, v46;
	[tilespmem:s22+$0x19210] =	vst v1  }
0xf3: {  	[tilespmem:s22+$0x19220] =	vst v2;
	v5 =	vmul.f32 $8.000000000e+00, v47  }
0xf4: {  	s19 =	sadd.s32 $0x1, s19;
	v4 =	vmul.f32 $8.000000000e+00, v48;
	[tilespmem:s22+$0x19230] =	vst v3  }
0xf5: {  	s20 =	smul.u32 $0xC8, s20;
	p0 =	sne.s32 s19, $0x40;
	v6 =	vmul.f32 $8.000000000e+00, v49;
	[tilespmem:s22+$0x19280] =	vst v5  }
.Ltmp5:
0xf6: {  	v0 =	vmul.f32 $8.000000000e+00, v50;
	[tilespmem:s22+$0x19290] =	vst v4;
	(pc) =	sbr.rel @p0 .LBB2_2-.Ltmp5, $4  }
0xf7: {  	s20 =	sadd.s32 s3, s20;
	v1 =	vmul.f32 $8.000000000e+00, v51;
	[tilespmem:s22+$0x192A0] =	vst v6  }
0xf8: {  	s20 =	sshll.u32 s20, $0x4;
	[tilespmem:s22+$0x192B0] =	vst v0  }
0xf9: {  	s20 =	sadd.s32 s5, s20;
	[tilespmem:s22+$0x19300] =	vst v1  }
0xfa: {  	[hbm4b:s20+s2] =	stream.linear.scatter [tilespmem:s16], [sflag:$0x4], $0x6400, $0x38;
	[tilespmem:$0x1F400] =	vst v63  }
0xfb: {  	s18 =	sadd.s32 $0x1, s18  }
0xfc: {  	_ =	swait.ge [sflag:s17], $0x6400;
	p0 =	sne.s32 s18, s7  }
.Ltmp6:
0xfd: {  	[sflag:s17] =	ssyncset.done $0x0;
	(pc) =	sbr.rel @p0 .LBB2_1-.Ltmp6, $4  }
0xfe: {  	[sflag:s17] =	ssyncadd.s32 $0xFFFF9C00  }
0xff: {  	_ =	swait.ge [sflag:s15], $0x6400  }
0x100: {  	[sflag:s15] =	ssyncset.done $0x0  }
0x101: {  	[sflag:s15] =	ssyncadd.s32 $0xFFFF9C00  }
0x102: {  	_ =	sfence.sel $0x180000  }
0x103: {  	[bflag:$0x0] =	sbarrier.arrive $0xFFFF  }
0x104: {  	p0 =	sne.s32 s0, $0x0;
	_ =	strace $0x90000047  }
0x105: {  	s0 =	sadd.s32 @!p0 $0x100000, s1;
	[bflag:$0x2] =	sbarrier.arrive $0xFFFF  }
0x106: {  	[sflag:s0] =	ssyncadd.tile.s32 @!p0 $0x1;
	_ =	shalt  }
.Lfunc_end2:
_tile_overlayer_lowered:
.L_overlay_start_2:
0x107: {  	(tag) =	ssettag $0x2  }
0x108: {  	s0 =	rddreg [dreg:$0x0];
	s2 =	stileid.u32  }
0x109: {  	s1 =	rddreg [dreg:$0x1];
	p0 =	sne.s32 s2, $0x0  }
0x10a: {  	s3 =	rddreg [dreg:$0x2];
	[bflag:$0x3] =	sbarrier.arrive $0xFFFF;
	s2 =	simm.s32 @!p0 $0x1C05  }
0x10b: {  	[timem:s3], [sflag:s2] =	dma.local @!p0 [hbm:s0], s1  }
0x10c: {  	s0 =	simm.s32 @!p0 $0x5  }
0x10d: {  	_ =	swait.ge @!p0 [sflag:s0], s1  }
0x10e: {  	s1 =	ssub.s32 @!p0 $0x0, s1;
	[sflag:s0] =	ssyncset.done @!p0 $0x0  }
0x10f: {  	[sflag:s0] =	ssyncadd.s32 @!p0 s1  }
0x110: {  	[bflag:$0x3] =	sbarrier.arrive $0xFFFF  }
0x111: {  	_ =	shalt  }

// kernel: sparse-core-data-format-call.cloned.1.call-start
scs
called_computation_lowered:
.L_overlay_start_0:
0x0: {  	s2 =	sld [smem:$0x3FD9]  }
0x1: {  	s3 =	sld [smem:$0x3FFE];
	_ =	sdelay $0x1  }
0x2: {  	s1 =	srdreg.scid  }
0x3: {  	s0 =	sand.u32 $0x1, s1  }
0x4: {  	s18 =	sshll.u32 s0, $0xA;
	s2 =	sadd.s32 s3, s2  }
0x5: {  	s2 =	sadd.s32 s2, s18  }
0x6: {  	[smem:$0x3FC6] =	sst s2  }
0x7: {  	_ = 	snop  }
0x8: {  	s2 =	sld [smem:$0x3FD0];
	(tm) =	ssettm $0x1  }
0x9: {  	s19 =	sld [smem:$0x3FFB];
	_ =	sdelay $0x3  }
0xa: {  	_ =	strace s19  }
0xb: {  	s3 =	sld [smem:$0x3FFC];
	_ =	sdelay $0x3  }
0xc: {  	_ =	strace s3  }
0xd: {  	s3 =	sld [smem:$0x3FFD];
	_ =	sdelay $0x3  }
0xe: {  	_ =	strace s3  }
0xf: {  	_ =	strace $0x8FFFFFFF  }
0x10: {  	s20 =	sld [smem:$0x3FDB];
	_ =	sdelay $0x1  }
0x11: {  	s4 =	simm.s32 $_scs_section_size  }
0x12: {  	s5 =	simm.s32 $_size__tile_overlayer_lowered;
	s6 =	simm.s32 $_tile_overlayer_lowered  }
0x13: {  	s23 =	simm.s32 $0x1BFF;
	s22 =	sshll.u32 s6, $0x1;
	s3 =	sadd.s32 s4, s20  }
0x14: {  	s7 =	simm.s32 $0x0;
	s21 =	sshll.u32 s5, $0x1;
	s5 =	sadd.s32 s22, s3  }
0x15: {  	[timem:s7], [sflag:s23] =	dma.local [hbm:s5], s21  }
0x16: {  	_ =	swait.ge [sflag:s23], s21  }
0x17: {  	s4 =	ssub.s32 $0x0, s21;
	[sflag:s23] =	ssyncset.done $0x0  }
0x18: {  	[sflag:s23] =	ssyncadd.s32 s4;
	_ =	sdelay $0x1  }
0x19: {  	s24 =	simm.s32 $0x1B8B  }
0x1a: {  	_ =	swait.ge [sflag:s24], $0x1  }
0x1b: {  	[sflag:s24] =	ssyncset.done $0x0  }
0x1c: {  	s26 =	simm.s32 $0x1B8E;
	s25 =	sld [smem:$0x3FFE];
	[sflag:s24] =	ssyncadd.s32 $0xFFFFFFFF  }
0x1d: {  	s27 =	simm.s32 $execute0_lowered;
	[smem:$0x3FD2] =	sst s26  }
0x1e: {  	s5 =	sshll.u32 s27, $0x1;
	_ =	strace $0x80000049;
	[dreg:$0x1] =	wrdreg $0xFFFFFFFF  }
0x1f: {  	s28 =	simm.s32 $_size_execute0_lowered;
	s3 =	sadd.s32 s3, s5;
	[dreg:$0x0] =	wrdreg $0x0  }
0x20: {  	s5 =	sshll.u32 s28, $0x1;
	[dreg:$0x2] =	wrdreg s3  }
0x21: {  	[dreg:$0x3] =	wrdreg s5  }
0x22: {  	[dreg:$0x4] =	wrdreg $0xC0  }
0x23: {  	_ =	task [dreg:s7], $0x5FFFF  }
0x24: {  	[dreg:$0x1] =	wrdreg $0xFFFFFFFF  }
0x25: {  	[dreg:$0x0] =	wrdreg $0x60  }
0x26: {  	[dreg:$0x2] =	wrdreg s25  }
0x27: {  	[dreg:$0x3] =	wrdreg s2  }
0x28: {  	[dreg:$0x4] =	wrdreg $0x9  }
0x29: {  	_ =	task.clear_ibuf [dreg:s7], $0x5FFFF;
	_ =	strace $0x90000049  }
0x2a: {  	s29 =	simm.s32 $0x9;
	_ =	strace $0x8000004B  }
0x2b: {  	_ =	swait.ge [sflag:s29], $0x1  }
0x2c: {  	[sflag:s29] =	ssyncadd.s32 $0xFFFFFFFF  }
0x2d: {  	_ =	strace $0x9000004B  }
0x2e: {  	_ =	sfence  }
0x2f: {  	s30 =	sld [smem:$0x0];
	_ =	sdelay $0x2  }
0x30: {  	s31 =	sshll.u32 s1, $0xD;
	s1 =	sshrl.u32 s1, $0x2  }
0x31: {  	s3 =	sand.u32 $0x4000, s31;
	s1 =	sadd.s32 s1, s30  }
0x32: {  	s0 =	sor.u32 s3, s0;
	s1 =	sshll.u32 s1, $0x11  }
0x33: {  	s0 =	sor.u32 s1, s0  }
0x34: {  	s0 =	sadd.s32 $0x8F2B, s0  }
0x35: {  	[sflag:s0] =	ssyncadd.remote.s32 $0x1  }
0x36: {  	_ =	sfence.sel $0xFFFF  }
0x37: {  	[dreg:$0x0] =	wrdreg $0xFFFFFFFF;
	(pc) =	sbr.abs _section_cstart, $3  }
0x38: {  	[dreg:$0x1] =	wrdreg $0xFFFFFFFF  }
0x39: {  	_ =	task.clear_ibuf [dreg:s7], $0x2FFFF;
	_ =	strace $0x9FFFFFFF  }
0x3a: {  	(tm) =	ssettm $0x7FFFFFFF  }
0x3b: {  	_ =	shalt  }
tec
execute0_lowered:
.L_overlay_start_1:
0x0: {  	(tag) =	ssettag $0x1  }
0x1: {  	s0 =	srdreg.scid  }
0x2: {  	s1 =	sshll.u32 s0, $0x4  }
0x3: {  	s0 =	stileid.u32;
	s1 =	sand.u32 $0x10, s1  }
0x4: {  	s1 =	sor.u32 s0, s1  }
0x5: {  	s6 =	rddreg [dreg:$0x0];
	s4 =	simm.s32 $0x1;
	s2 =	sshll.u32 s1, $0x7  }
0x6: {  	s7 =	simm.s32 $0x2;
	s12 =	simm.s32 $0x0;
	s1 =	ssub.s32 $0x1000, s2  }
0x7: {  	s8 =	simm.s32 $0x8000;
	s13 =	simm.s32 $0x0;
	s3 =	sand.u32 $0xF80, s1  }
0x8: {  	s9 =	simm.s32 $0x0;
	s5 =	sshrl.u32 s1, $0xC;
	p0 =	sne.s32 s3, $0x0  }
.Ltmp0:
0x9: {  	s1 =	rddreg [dreg:$0x2];
	s4 =	simm.s32 @!p0 $0x0;
	(pc) =	sbr.rel .LBB1_1-.Ltmp0, $4  }
0xa: {  	s11 =	simm.s32 $0x0;
	s3 =	rddreg [dreg:$0x1];
	s5 =	sadd.s32 s4, s5  }
0xb: {  	_ =	strace $0x8000004A;
	s4 =	simm.s32 $0x1;
	s5 =	smul.u32 $0xC8, s5  }
0xc: {  	s6 =	sadd.s32 $0xA00, s6;
	s10 =	smov.u32 s2;
	[sflag:s4] =	ssyncpa.u1 $0x0  }
0xd: {  	p0 =	por $0x0, $0x0;
	[sflag:s7] =	ssyncpa.u1 $0x0;
	s7 =	sor.u32 $0x1, s5  }
.LBB1_4:
0xe: {  	s16 =	sshll.u32 s13, $0x3;
	s17 =	sand.u32 $0x78, s13  }
0xf: {  	s30 =	sand.u32 $0x7E00, s13;
	s12 =	sshll.u32 s12, $0xF;
	s16 =	sand.u32 $0xC00, s16  }
0x10: {  	[tilespmem:s15+$0x810 ss:$0x81] =	vst.msk $0xffff, v2;
	s31 =	sand.u32 $0x7, s13;
	s16 =	sor.u32 s17, s16;
	s17 =	sadd.s32 s3, s30  }
0x11: {  	[tilespmem:s15+$0x1020 ss:$0x81] =	vst.msk $0xffff, v0;
	s13 =	sshll.u32 s31, $0x12;
	s12 =	sadd.s32 s12, s17;
	s16 =	sshrl.u32 s16, $0x3  }
0x12: {  	[tilespmem:s15+$0x0 ss:$0x81] =	vst.msk $0xffff, v1;
	s13 =	sor.u32 $0x400, s13;
	s12 =	sadd.s32 s16, s12  }
0x13: {  	[hbm4b:s12+s13] =	stream.strided.scatter [tilespmem:s14], [sflag:$0x2], $0x2000, s8, s13, $0x20;
	[tilespmem:$0x8080] =	vst v63  }
.LBB1_5:
0x14: {  	s14 =	sadd.s32 $0x1, s9  }
0x15: {  	s12 =	sadd.s32 $0x1000, s10;
	s16 =	smov.u32 s10;
	p2 =	sgt.s32 s14, $0xC7  }
0x16: {  	s16 =	smov.u32 @p2 s12  }
0x17: {  	s14 =	simm.s32 @p2 $0x0;
	p2 =	sgt.s32 s16, $0xFFF  }
0x18: {  	s16 =	smov.u32 @p2 s2;
	p2 =	sne.s32 s11, s7  }
.Ltmp1:
0x19: {  	p1 =	slt.u32 s11, $0x2;
	(pc) =	sbr.rel @!p2 .LBB1_6-.Ltmp1, $4  }
0x1a: {  	s15 =	simm.s32 @!p1 $0x2  }
0x1b: {  	s13 =	smov.u32 s10;
	p0 =	por !p0, !p0;
	_ =	swait.ge @!p1 [sflag:s15], $0x2000  }
0x1c: {  	s12 =	smov.u32 s9;
	[sflag:s15] =	ssyncset.done @!p1 $0x0;
	s9 =	smov.u32 s14  }
0x1d: {  	s11 =	sadd.s32 $0x1, s11;
	[sflag:s15] =	ssyncadd.s32 @!p1 $0xFFFFE000;
	s10 =	smov.u32 s16  }
.LBB1_1:
0x1e: {  	p1 =	sge.u32 s11, s5  }
0x1f: {  	s14 =	sand.u32 @!p1 $0x1FFFFFF, s9  }
0x20: {  	s15 =	smulhi.u32 @!p1 $0x147AE15, s14;
	_ =	sdelay $0x1  }
0x21: {  	s15 =	smul.u32 @!p1 $0xC8, s15  }
0x22: {  	s16 =	sxor.u32 @!p1 $0xFFFFFFFF, s11;
	s17 =	smul.u32 @!p1 $0xC80, s10  }
0x23: {  	s31 =	sadd.s32 $0xFFFFFFFF, s11;
	s16 =	sshll.u32 @!p1 s16, $0xD;
	s14 =	ssub.s32 @!p1 s14, s15  }
0x24: {  	s15 =	sand.u32 @!p1 $0x2000, s16;
	s16 =	sadd.s32 @!p1 s6, s17;
	s14 =	sshll.u32 @!p1 s14, $0x4  }
0x25: {  	s17 =	simm.s32 @!p1 $0x6400;
	s14 =	sadd.s32 @!p1 s14, s16;
	s16 =	simm.s32 @!p1 $0x40  }
0x26: {  	[tilespmem:s15], [sflag:$0x1] =	stream.strided.gather @!p1 [hbm4b:s14+s16], $0x2000, s17, s16, $0x38;
	[tilespmem:$0x8080] =	vst v63  }
0x27: {  	p1 =	sge.u32 s31, s5  }
.Ltmp2:
0x28: {  	_ = 	snop;
	(pc) =	sbr.rel @p1 .LBB1_5-.Ltmp2, $1  }
0x29: {  	_ =	sdelay $0x3  }
0x2a: {  	s14 =	simm.s32 $0x1  }
0x2b: {  	_ =	swait.ge [sflag:s4], $0x2000;
	s14 =	simm.s32 @!p0 $0x0  }
0x2c: {  	[sflag:s4] =	ssyncset.done $0x0;
	s15 =	sshll.u32 s14, $0xD  }
0x2d: {  	[sflag:s4] =	ssyncadd.s32 $0xFFFFE000;
	s18 =	sor.u32 $0x20, s15  }
0x2e: {  	s14 =	smul.u32 $0x8100, s14;
	v3 =	vld [tilespmem:s18+$0x10]  }
0x2f: {  	s30 =	sand.u32 $0x1, s11;
	v2 =	vld [tilespmem:s18+$0xFFFFFFF0]  }
0x30: {  	s15 =	smul.u32 $0x8100, s30;
	s14 =	sshrl.u32 s14, $0x2;
	v0 =	vld [tilespmem:s18+$0x0]  }
0x31: {  	v1 =	vld [tilespmem:s18+$0xFFFFFFE0];
	s16 =	sor.u32 $0x4000, s14  }
0x32: {  	s31 =	sshrl.u32 s15, $0x2;
	s15 =	sadd.s32 $0x0, s16  }
0x33: {  	s17 =	simm.s32 $0x4;
	s18 =	sadd.s32 $0x40, s18;
	s14 =	sor.u32 $0x4000, s31;
	[tilespmem:s15+$0x1830 ss:$0x81] =	vst.msk $0xffff, v3  }
.LBB1_3:
0x34: {  	v3 =	vld [tilespmem:s18+$0x10];
	p1 =	sne.s32 s17, $0x1FC;
	[tilespmem:s15+$0x810 ss:$0x81] =	vst.msk $0xffff, v2;
	s19 =	smov.u32 s17;
	s17 =	sadd.s32 $0x4, s17  }
.Ltmp3:
0x35: {  	v2 =	vld [tilespmem:s18+$0xFFFFFFF0];
	[tilespmem:s15+$0x1020 ss:$0x81] =	vst.msk $0xffff, v0;
	(pc) =	sbr.rel @p1 .LBB1_3-.Ltmp3, $4  }
0x36: {  	v0 =	vld [tilespmem:s18+$0x0];
	[tilespmem:s15+$0x0 ss:$0x81] =	vst.msk $0xffff, v1  }
0x37: {  	s15 =	sshra.s32 s19, $0x2;
	v1 =	vld [tilespmem:s18+$0xFFFFFFE0]  }
0x38: {  	s15 =	sadd.s32 s15, s16  }
0x39: {  	s18 =	sadd.s32 $0x40, s18;
	[tilespmem:s15+$0x1830 ss:$0x81] =	vst.msk $0xffff, v3  }
.Ltmp4:
0x3a: {  	_ = 	snop;
	(pc) =	sbr.rel .LBB1_4-.Ltmp4, $1  }
0x3b: {  	_ =	sdelay $0x3  }
.LBB1_6:
0x3c: {  	_ =	sfence.sel $0x180000  }
0x3d: {  	s2 =	simm.s32 $0x1;
	[bflag:$0x0] =	sbarrier.arrive $0xFFFF  }
0x3e: {  	s31 =	simm.s32 $0x2;
	[sflag:s2] =	ssyncpa.u1 $0x1  }
0x3f: {  	[sflag:s31] =	ssyncpa.u1 $0x1  }
0x40: {  	p0 =	sne.s32 s0, $0x0;
	_ =	strace $0x9000004A  }
0x41: {  	s0 =	sadd.s32 @!p0 $0x100000, s1;
	[bflag:$0x2] =	sbarrier.arrive $0xFFFF  }
0x42: {  	[sflag:s0] =	ssyncadd.tile.s32 @!p0 $0x1;
	_ =	shalt  }
.Lfunc_end1:
_tile_overlayer_lowered:
.L_overlay_start_2:
0x43: {  	(tag) =	ssettag $0x2  }
0x44: {  	s0 =	rddreg [dreg:$0x0];
	s2 =	stileid.u32  }
0x45: {  	s1 =	rddreg [dreg:$0x1];
	p0 =	sne.s32 s2, $0x0  }
0x46: {  	s3 =	rddreg [dreg:$0x2];
	[bflag:$0x3] =	sbarrier.arrive $0xFFFF;
	s2 =	simm.s32 @!p0 $0x1C01  }
0x47: {  	[timem:s3], [sflag:s2] =	dma.local @!p0 [hbm:s0], s1  }
0x48: {  	s0 =	simm.s32 @!p0 $0x1  }
0x49: {  	_ =	swait.ge @!p0 [sflag:s0], s1  }
0x4a: {  	s1 =	ssub.s32 @!p0 $0x0, s1;
	[sflag:s0] =	ssyncset.done @!p0 $0x0  }
0x4b: {  	[sflag:s0] =	ssyncadd.s32 @!p0 s1  }
0x4c: {  	[bflag:$0x3] =	sbarrier.arrive $0xFFFF  }
0x4d: {  	_ =	shalt  }

</sc_bundles>
